<compile_context>
chip_gen: v7x
topology: tpu7x:2x2x1
jax: 0.10.2.dev20260603
libtpu: 0.0.44.dev20260713+nightly
codegen_flags: <defaults>
</compile_context>

<pallas_src>
import functools

import jax
import jax.numpy as jnp
from jax import lax
from jax.experimental import pallas as pl
from jax.experimental.pallas import tpu as pltpu
from jax.experimental.pallas import tpu_sc as plsc

N = 10000
E = 320000
D = 128
EPS = 1e-5

NC = 2
NS = 16
NW = NC * NS
CW = 128
CH = 80
ET = CH * CW
EP = NW * ET
NP = 10240
RT = NP // NS
ZR = 128

_sc_mesh = plsc.VectorSubcoreMesh(core_axis_name="c", subcore_axis_name="s")
_sc_params = pltpu.CompilerParams(needs_layout_passes=False)


@functools.partial(
    pl.kernel,
    out_type=jax.ShapeDtypeStruct((NW * NP,), jnp.float32),
    mesh=_sc_mesh,
    compiler_params=_sc_params,
    scratch_types=[
        pltpu.VMEM((CH, CW), jnp.int32),
        pltpu.VMEM((NP,), jnp.float32),
    ],
)
def _sc_count(dst_hbm, cnt_out, dstv, deg):
    c = lax.axis_index("c")
    s = lax.axis_index("s")
    w = c * NS + s
    pltpu.sync_copy(dst_hbm.at[pl.ds(w * CH, CH)], dstv)
    zeros = jnp.zeros((16,), jnp.float32)

    def zbody(i, carry):
        deg[pl.ds(i * 16, 16)] = zeros
        return carry

    lax.fori_loop(0, NP // 16, zbody, 0)
    ones = jnp.full((16,), 1.0, jnp.float32)

    def cbody(j, carry):
        d16 = dstv[j >> 3, pl.ds((j & 7) * 16, 16)]
        plsc.addupdate_scatter(deg, [d16], ones)
        return carry

    lax.fori_loop(0, ET // 16, cbody, 0)
    pltpu.sync_copy(deg, cnt_out.at[pl.ds(w * NP, NP)])


@functools.partial(
    pl.kernel,
    out_type=jax.ShapeDtypeStruct((NC, NP, D), jnp.float32),
    mesh=_sc_mesh,
    compiler_params=_sc_params,
    scratch_types=[
        pltpu.VMEM((CH // 2, CW), jnp.int32),
        pltpu.VMEM((CH // 2, CW), jnp.int32),
        pltpu.VMEM((CW, D), jnp.float32),
        pltpu.VMEM((CW, D), jnp.float32),
        pltpu.VMEM_SHARED((NP, D), jnp.float32),
        pltpu.SemaphoreType.DMA,
        pltpu.SemaphoreType.DMA,
    ],
)
def _sc_scatter(src_hbm, dst_hbm, g_hbm, acc_out, srcv, dstv, r0, r1,
                acc_sh, sem0, sem1):
    c = lax.axis_index("c")
    s = lax.axis_index("s")
    w = c * NS + s
    zeros = jnp.zeros((16,), jnp.float32)

    CHH = CH // 2
    pltpu.sync_copy(src_hbm.at[pl.ds(w * CH, CHH)], srcv)
    pltpu.sync_copy(dst_hbm.at[pl.ds(w * CH, CHH)], dstv)
    pltpu.async_copy(g_hbm.at[srcv.at[0]], r1, sem1)

    def zbody(i, carry):
        for k in range(D // 16):
            r0[i, pl.ds(k * 16, 16)] = zeros
        return carry

    lax.fori_loop(0, ZR, zbody, 0)
    for r in range(RT // ZR):
        pltpu.sync_copy(r0, acc_sh.at[pl.ds(s * RT + r * ZR, ZR)])
    plsc.subcore_barrier()

    def body(i, carry):
        j0 = 2 * i
        j1 = 2 * i + 1
        pltpu.async_copy(g_hbm.at[srcv.at[j1]], r0, sem0)
        pltpu.make_async_copy(g_hbm.at[srcv.at[j0]], r1, sem1).wait()
        pltpu.sync_copy(r1, acc_sh.at[dstv.at[j0]], add=True)

        @pl.when(j1 + 1 < CHH)
        def _():
            pltpu.async_copy(g_hbm.at[srcv.at[j1 + 1]], r1, sem1)

        pltpu.make_async_copy(g_hbm.at[srcv.at[j1]], r0, sem0).wait()
        pltpu.sync_copy(r0, acc_sh.at[dstv.at[j1]], add=True)
        return carry

    lax.fori_loop(0, CHH // 2, body, 0)
    pltpu.sync_copy(src_hbm.at[pl.ds(w * CH + CHH, CHH)], srcv)
    pltpu.sync_copy(dst_hbm.at[pl.ds(w * CH + CHH, CHH)], dstv)
    pltpu.async_copy(g_hbm.at[srcv.at[0]], r1, sem1)
    lax.fori_loop(0, CHH // 2, body, 0)
    plsc.subcore_barrier()
    pltpu.sync_copy(acc_sh.at[pl.ds(s * RT, RT)],
                    acc_out.at[c, pl.ds(s * RT, RT)])


def _tc_mm_body(x_ref, w_ref, h_ref):
    h_ref[...] = jnp.dot(x_ref[...], w_ref[...],
                         preferred_element_type=jnp.float32)


def _tc_mm(x, W):
    return pl.pallas_call(
        _tc_mm_body,
        out_shape=jax.ShapeDtypeStruct((N, D), jnp.float32),
    )(x, W)


def _tc_scale_body(h_ref, cnt_ref, g_ref, dinv_ref):
    deg = jnp.sum(cnt_ref[...], axis=0, keepdims=True) + 1.0
    dinv = jnp.transpose(lax.rsqrt(deg[:, :N]))
    g_ref[...] = h_ref[...] * dinv
    dinv_ref[...] = dinv


def _tc_scale(h, counts):
    return pl.pallas_call(
        _tc_scale_body,
        out_shape=[
            jax.ShapeDtypeStruct((N, D), jnp.float32),
            jax.ShapeDtypeStruct((N, 1), jnp.float32),
        ],
    )(h, counts)


def _tc_epi_body(g_ref, acc_ref, dinv_ref, b_ref, gam_ref, bet_ref,
                 x_ref, o_ref):
    tot = g_ref[...] + acc_ref[0, :N, :] + acc_ref[1, :N, :]
    tot = tot * dinv_ref[...] + b_ref[...]
    mu = jnp.mean(tot, axis=1, keepdims=True)
    cen = tot - mu
    var = jnp.mean(cen * cen, axis=1, keepdims=True)
    xh = cen * lax.rsqrt(var + EPS)
    y = xh * gam_ref[...] + bet_ref[...]
    o_ref[...] = jnp.maximum(y + x_ref[...], 0.0)


def _tc_epilogue(g, acc, dinv, b, gamma, beta, x):
    return pl.pallas_call(
        _tc_epi_body,
        out_shape=jax.ShapeDtypeStruct((N, D), jnp.float32),
    )(g, acc, dinv, b.reshape(1, D), gamma.reshape(1, D),
      beta.reshape(1, D), x)


def kernel(x, edge_index, W, b, gamma, beta):
    pad = EP - E
    ar = jnp.arange(pad, dtype=jnp.int32)
    src_pad = jnp.concatenate([edge_index[0], (ar * 131) % N])
    dst_pad = jnp.concatenate([edge_index[1], N + ar % (NP - N)])
    src2 = src_pad.reshape(NW * CH, CW)
    dst2 = dst_pad.reshape(NW * CH, CW)
    counts = _sc_count(dst2).reshape(NW, NP)
    h = _tc_mm(x, W)
    g, dinv = _tc_scale(h, counts)
    acc = _sc_scatter(src2, dst2, g)
    return _tc_epilogue(g, acc, dinv, b, gamma, beta, x)

# --- scband reference (transcript-rebuilt; emitter-appended) ---
"""Pipeline reference for scband-multipole-graph-layer-17927193494233 (READ-ONLY COPY).

The authoritative reference and input builder live on the scoring server;
editing this copy changes nothing except your own understanding.
"""

import jax, jax.numpy as jnp
import numpy as np

N = 10000
E = 320000
D = 128
EPS = 1e-5


def setup_inputs(seed: int = 0) -> dict:
    key = jax.random.key(seed)
    k1, k2, k3 = jax.random.split(key, 3)
    x = jax.random.normal(k1, (N, D), dtype=jnp.float32)
    edge_index = jax.random.randint(k2, (2, E), 0, N, dtype=jnp.int32)
    # GCNConv params (glorot-ish weight, zero bias)
    W = jax.random.normal(k3, (D, D), dtype=jnp.float32) * (1.0 / np.sqrt(D))
    b = jnp.zeros((D,), dtype=jnp.float32)
    # LayerNorm params
    gamma = jnp.ones((D,), dtype=jnp.float32)
    beta = jnp.zeros((D,), dtype=jnp.float32)
    return {"x": x, "edge_index": edge_index, "W": W, "b": b, "gamma": gamma, "beta": beta}


def _gcn_conv(x, edge_index, W, b):
    n = x.shape[0]
    src = edge_index[0]
    dst = edge_index[1]
    # add self loops (PyG GCNConv default add_self_loops=True)
    loop = jnp.arange(n, dtype=src.dtype)
    src = jnp.concatenate([src, loop])
    dst = jnp.concatenate([dst, loop])
    # symmetric normalization: deg computed on dst (col) with unit edge weights
    deg = jnp.zeros((n,), dtype=x.dtype).at[dst].add(1.0)
    deg_inv_sqrt = jnp.where(deg > 0, jax.lax.rsqrt(jnp.maximum(deg, 1e-12)), 0.0)
    norm = deg_inv_sqrt[src] * deg_inv_sqrt[dst]
    h = x @ W
    msg = h[src] * norm[:, None]
    out = jnp.zeros_like(h).at[dst].add(msg)
    return out + b


def _layer_norm(x, gamma, beta):
    mu = jnp.mean(x, axis=-1, keepdims=True)
    var = jnp.mean((x - mu) ** 2, axis=-1, keepdims=True)
    xhat = (x - mu) * jax.lax.rsqrt(var + EPS)
    return xhat * gamma + beta


def reference(x, edge_index, W, b, gamma, beta):
    x_res = x
    h = _gcn_conv(x, edge_index, W, b)
    h = _layer_norm(h, gamma, beta)
    return jax.nn.relu(h + x_res)

if __name__ == "__main__":
    import jax
    _d = setup_inputs()
    print(jax.jit(kernel)(*tuple(_d.values())))

</pallas_src>

<mosaic_0001>
#map = affine_map<(d0, d1) -> (0, 0)>
#map1 = affine_map<(d0, d1) -> (0)>
module attributes {stable_mosaic.version = 14 : i64} {
  func.func @_sc_count(%arg0: i32, %arg1: i32, %arg2: memref<2560x128xi32, #tpu.memory_space<hbm>>, %arg3: memref<327680xf32, #tpu.memory_space<hbm>>, %arg4: memref<80x128xi32, #tpu.memory_space<vmem>>, %arg5: memref<10240xf32, #tpu.memory_space<vmem>>) attributes {dimension_semantics = [#tpu.dimension_semantics<core_parallel>, #tpu.dimension_semantics<subcore_parallel>], iteration_bounds = array<i64: 2, 16>, scalar_prefetch = 0 : i64, scratch_operands = 2 : i64, tpu.core_type = #tpu.core_type<sc_vector_subcore>, window_params = [{transform_indices = #map}, {transform_indices = #map1}]} {
    %mul3A = arith.constant 16 : i32
    %mul3A_0 = arith.muli %arg0, %mul3A : i32
    %add3A = arith.addi %mul3A_0, %arg1 : i32
    %mul3A_1 = arith.constant 80 : i32
    %mul3A_2 = arith.muli %add3A, %mul3A_1 : i32
    "tpu.region"() ({
      %run_scoped3A = tpu.sem_alloc : memref<!tpu.dma_semaphore, #tpu.memory_space<semaphore_mem>>
      %dma_start3A = arith.constant 0 : i32
      %dma_start3A_19 = tpu.memref_slice %arg2[%mul3A_2, %dma_start3A] : memref<2560x128xi32, #tpu.memory_space<hbm>> -> memref<80x128xi32, #tpu.memory_space<hbm>>
      %dma_start3A_20 = arith.constant 0 : i32
      %dma_start3A_21 = tpu.memref_slice %arg2[%mul3A_2, %dma_start3A_20] : memref<2560x128xi32, #tpu.memory_space<hbm>> -> memref<80x128xi32, #tpu.memory_space<hbm>>
      tpu.enqueue_dma source(%dma_start3A_21 : memref<80x128xi32, #tpu.memory_space<hbm>>) target(%arg4 : memref<80x128xi32, #tpu.memory_space<vmem>>) target_semaphore(%run_scoped3A : memref<!tpu.dma_semaphore, #tpu.memory_space<semaphore_mem>>)
      %dma_wait3A = arith.constant 0 : i32
      %dma_wait3A_22 = tpu.memref_slice %arg2[%mul3A_2, %dma_wait3A] : memref<2560x128xi32, #tpu.memory_space<hbm>> -> memref<80x128xi32, #tpu.memory_space<hbm>>
      %dma_wait3A_23 = arith.constant 0 : i32
      %dma_wait3A_24 = tpu.memref_slice %arg2[%mul3A_2, %dma_wait3A_23] : memref<2560x128xi32, #tpu.memory_space<hbm>> -> memref<80x128xi32, #tpu.memory_space<hbm>>
      tpu.wait_dma2 semaphore(%run_scoped3A : memref<!tpu.dma_semaphore, #tpu.memory_space<semaphore_mem>>) src(%dma_wait3A_24 : memref<80x128xi32, #tpu.memory_space<hbm>>) dst(%arg4 : memref<80x128xi32, #tpu.memory_space<vmem>>)
      tpu.yield
    }) : () -> ()
    %broadcast_in_dim3A = arith.constant 0.000000e+00 : f32
    %broadcast_in_dim3A_3 = vector.broadcast %broadcast_in_dim3A : f32 to vector<16xf32>
    %scan3A = arith.constant 0 : i32
    %scan3A_4 = arith.constant 0 : i32
    %scan3A_5 = arith.constant 640 : i32
    %scan3A_6 = arith.addi %scan3A_4, %scan3A_5 : i32
    %scan3A_7 = arith.constant 1 : i32
    scf.for %scan3A_19 = %scan3A_4 to %scan3A_6 step %scan3A_7  : i32 {
      %mul3A_20 = arith.constant 16 : i32
      %mul3A_21 = arith.muli %scan3A_19, %mul3A_20 : i32
      %swap3A = arith.index_cast %mul3A_21 : i32 to index
      %swap3A_22 = tpu.vector_load %arg5[%swap3A] {strides = array<i32>} : memref<10240xf32, #tpu.memory_space<vmem>>, vector<16xf32>,
      tpu.vector_store %arg5[%swap3A], %broadcast_in_dim3A_3 {strides = array<i32>} : memref<10240xf32, #tpu.memory_space<vmem>>, vector<16xf32>,
    }
    %scan3A_8 = arith.constant 640 : i32
    %broadcast_in_dim3A_9 = arith.constant 1.000000e+00 : f32
    %broadcast_in_dim3A_10 = vector.broadcast %broadcast_in_dim3A_9 : f32 to vector<16xf32>
    %scan3A_11 = arith.constant 0 : i32
    %scan3A_12 = arith.constant 0 : i32
    %scan3A_13 = arith.constant 640 : i32
    %scan3A_14 = arith.addi %scan3A_12, %scan3A_13 : i32
    %scan3A_15 = arith.constant 1 : i32
    scf.for %scan3A_19 = %scan3A_12 to %scan3A_14 step %scan3A_15  : i32 {
      %shift_right_arithmetic3A = arith.constant 3 : i32
      %shift_right_arithmetic3A_20 = arith.shrsi %scan3A_19, %shift_right_arithmetic3A : i32
      %and3A = arith.constant 7 : i32
      %and3A_21 = arith.andi %scan3A_19, %and3A : i32
      %mul3A_22 = arith.constant 16 : i32
      %mul3A_23 = arith.muli %and3A_21, %mul3A_22 : i32
      %get3A = arith.index_cast %shift_right_arithmetic3A_20 : i32 to index
      %get3A_24 = arith.index_cast %mul3A_23 : i32 to index
      %get3A_25 = tpu.vector_load %arg4[%get3A, %get3A_24] {strides = array<i32>} : memref<80x128xi32, #tpu.memory_space<vmem>>, vector<16xi32>,
      tpu.vector_store_idx %arg5[%get3A_25], %broadcast_in_dim3A_10 {add = true} : memref<10240xf32, #tpu.memory_space<vmem>>[vector<16xi32>], vector<16xf32>,
    }
    %scan3A_16 = arith.constant 640 : i32
    %mul3A_17 = arith.constant 10240 : i32
    %mul3A_18 = arith.muli %add3A, %mul3A_17 : i32
    "tpu.region"() ({
      %run_scoped3A = tpu.sem_alloc : memref<!tpu.dma_semaphore, #tpu.memory_space<semaphore_mem>>
      %dma_start3A = tpu.memref_slice %arg3[%mul3A_18] : memref<327680xf32, #tpu.memory_space<hbm>> -> memref<10240xf32, #tpu.memory_space<hbm>>
      %dma_start3A_19 = tpu.memref_slice %arg3[%mul3A_18] : memref<327680xf32, #tpu.memory_space<hbm>> -> memref<10240xf32, #tpu.memory_space<hbm>>
      tpu.enqueue_dma source(%arg5 : memref<10240xf32, #tpu.memory_space<vmem>>) target(%dma_start3A_19 : memref<10240xf32, #tpu.memory_space<hbm>>) target_semaphore(%run_scoped3A : memref<!tpu.dma_semaphore, #tpu.memory_space<semaphore_mem>>)
      %dma_wait3A = tpu.memref_slice %arg3[%mul3A_18] : memref<327680xf32, #tpu.memory_space<hbm>> -> memref<10240xf32, #tpu.memory_space<hbm>>
      %dma_wait3A_20 = tpu.memref_slice %arg3[%mul3A_18] : memref<327680xf32, #tpu.memory_space<hbm>> -> memref<10240xf32, #tpu.memory_space<hbm>>
      tpu.wait_dma2 semaphore(%run_scoped3A : memref<!tpu.dma_semaphore, #tpu.memory_space<semaphore_mem>>) src(%arg5 : memref<10240xf32, #tpu.memory_space<vmem>>) dst(%dma_wait3A_20 : memref<10240xf32, #tpu.memory_space<hbm>>)
      tpu.yield
    }) : () -> ()
    return
  }
}

#map = affine_map<(d0, d1) -> (0, 0)>
#map1 = affine_map<(d0, d1) -> (0, 0, 0)>
module attributes {stable_mosaic.version = 14 : i64} {
  func.func @_sc_scatter(%arg0: i32, %arg1: i32, %arg2: memref<2560x128xi32, #tpu.memory_space<hbm>>, %arg3: memref<2560x128xi32, #tpu.memory_space<hbm>>, %arg4: memref<10000x128xf32, #tpu.memory_space<hbm>>, %arg5: memref<2x10240x128xf32, #tpu.memory_space<hbm>>, %arg6: memref<40x128xi32, #tpu.memory_space<vmem>>, %arg7: memref<40x128xi32, #tpu.memory_space<vmem>>, %arg8: memref<128x128xf32, #tpu.memory_space<vmem>>, %arg9: memref<128x128xf32, #tpu.memory_space<vmem>>, %arg10: memref<10240x128xf32, #tpu.memory_space<vmem_shared>>, %arg11: memref<!tpu.dma_semaphore, #tpu.memory_space<semaphore_mem>>, %arg12: memref<!tpu.dma_semaphore, #tpu.memory_space<semaphore_mem>>) attributes {dimension_semantics = [#tpu.dimension_semantics<core_parallel>, #tpu.dimension_semantics<subcore_parallel>], iteration_bounds = array<i64: 2, 16>, scalar_prefetch = 0 : i64, scratch_operands = 7 : i64, tpu.core_type = #tpu.core_type<sc_vector_subcore>, window_params = [{transform_indices = #map}, {transform_indices = #map}, {transform_indices = #map}, {transform_indices = #map1}]} {
    %mul3A = arith.constant 16 : i32
    %mul3A_0 = arith.muli %arg0, %mul3A : i32
    %add3A = arith.addi %mul3A_0, %arg1 : i32
    %broadcast_in_dim3A = arith.constant 0.000000e+00 : f32
    %broadcast_in_dim3A_1 = vector.broadcast %broadcast_in_dim3A : f32 to vector<16xf32>
    %mul3A_2 = arith.constant 80 : i32
    %mul3A_3 = arith.muli %add3A, %mul3A_2 : i32
    "tpu.region"() ({
      %run_scoped3A = tpu.sem_alloc : memref<!tpu.dma_semaphore, #tpu.memory_space<semaphore_mem>>
      %dma_start3A_69 = arith.constant 0 : i32
      %dma_start3A_70 = tpu.memref_slice %arg2[%mul3A_3, %dma_start3A_69] : memref<2560x128xi32, #tpu.memory_space<hbm>> -> memref<40x128xi32, #tpu.memory_space<hbm>>
      %dma_start3A_71 = arith.constant 0 : i32
      %dma_start3A_72 = tpu.memref_slice %arg2[%mul3A_3, %dma_start3A_71] : memref<2560x128xi32, #tpu.memory_space<hbm>> -> memref<40x128xi32, #tpu.memory_space<hbm>>
      tpu.enqueue_dma source(%dma_start3A_72 : memref<40x128xi32, #tpu.memory_space<hbm>>) target(%arg6 : memref<40x128xi32, #tpu.memory_space<vmem>>) target_semaphore(%run_scoped3A : memref<!tpu.dma_semaphore, #tpu.memory_space<semaphore_mem>>)
      %dma_wait3A = arith.constant 0 : i32
      %dma_wait3A_73 = tpu.memref_slice %arg2[%mul3A_3, %dma_wait3A] : memref<2560x128xi32, #tpu.memory_space<hbm>> -> memref<40x128xi32, #tpu.memory_space<hbm>>
      %dma_wait3A_74 = arith.constant 0 : i32
      %dma_wait3A_75 = tpu.memref_slice %arg2[%mul3A_3, %dma_wait3A_74] : memref<2560x128xi32, #tpu.memory_space<hbm>> -> memref<40x128xi32, #tpu.memory_space<hbm>>
      tpu.wait_dma2 semaphore(%run_scoped3A : memref<!tpu.dma_semaphore, #tpu.memory_space<semaphore_mem>>) src(%dma_wait3A_75 : memref<40x128xi32, #tpu.memory_space<hbm>>) dst(%arg6 : memref<40x128xi32, #tpu.memory_space<vmem>>)
      tpu.yield
    }) : () -> ()
    %mul3A_4 = arith.constant 80 : i32
    %mul3A_5 = arith.muli %add3A, %mul3A_4 : i32
    "tpu.region"() ({
      %run_scoped3A = tpu.sem_alloc : memref<!tpu.dma_semaphore, #tpu.memory_space<semaphore_mem>>
      %dma_start3A_69 = arith.constant 0 : i32
      %dma_start3A_70 = tpu.memref_slice %arg3[%mul3A_5, %dma_start3A_69] : memref<2560x128xi32, #tpu.memory_space<hbm>> -> memref<40x128xi32, #tpu.memory_space<hbm>>
      %dma_start3A_71 = arith.constant 0 : i32
      %dma_start3A_72 = tpu.memref_slice %arg3[%mul3A_5, %dma_start3A_71] : memref<2560x128xi32, #tpu.memory_space<hbm>> -> memref<40x128xi32, #tpu.memory_space<hbm>>
      tpu.enqueue_dma source(%dma_start3A_72 : memref<40x128xi32, #tpu.memory_space<hbm>>) target(%arg7 : memref<40x128xi32, #tpu.memory_space<vmem>>) target_semaphore(%run_scoped3A : memref<!tpu.dma_semaphore, #tpu.memory_space<semaphore_mem>>)
      %dma_wait3A = arith.constant 0 : i32
      %dma_wait3A_73 = tpu.memref_slice %arg3[%mul3A_5, %dma_wait3A] : memref<2560x128xi32, #tpu.memory_space<hbm>> -> memref<40x128xi32, #tpu.memory_space<hbm>>
      %dma_wait3A_74 = arith.constant 0 : i32
      %dma_wait3A_75 = tpu.memref_slice %arg3[%mul3A_5, %dma_wait3A_74] : memref<2560x128xi32, #tpu.memory_space<hbm>> -> memref<40x128xi32, #tpu.memory_space<hbm>>
      tpu.wait_dma2 semaphore(%run_scoped3A : memref<!tpu.dma_semaphore, #tpu.memory_space<semaphore_mem>>) src(%dma_wait3A_75 : memref<40x128xi32, #tpu.memory_space<hbm>>) dst(%arg7 : memref<40x128xi32, #tpu.memory_space<vmem>>)
      tpu.yield
    }) : () -> ()
    %dma_start3A = arith.constant 0 : i32
    %dma_start3A_6 = arith.constant 0 : i32
    %dma_start3A_7 = tpu.memref_slice %arg6[%dma_start3A, %dma_start3A_6] : memref<40x128xi32, #tpu.memory_space<vmem>> -> memref<1x128xi32, #tpu.memory_space<vmem>>
    %dma_start3A_8 = tpu.memref_squeeze %dma_start3A_7 : memref<1x128xi32, #tpu.memory_space<vmem>> -> memref<128xi32, #tpu.memory_space<vmem>>
    %dma_start3A_9 = arith.constant 0 : i32
    %dma_start3A_10 = arith.constant 0 : i32
    %dma_start3A_11 = tpu.memref_slice %arg4[%dma_start3A_9, %dma_start3A_10] : memref<10000x128xf32, #tpu.memory_space<hbm>> -> memref<10000x128xf32, #tpu.memory_space<hbm>>
    tpu.enqueue_indirect_dma source(%dma_start3A_11 : memref<10000x128xf32, #tpu.memory_space<hbm>>) target(%arg9 : memref<128x128xf32, #tpu.memory_space<vmem>>) offsets(%dma_start3A_8 : memref<128xi32, #tpu.memory_space<vmem>>) semaphore(%arg12 : memref<!tpu.dma_semaphore, #tpu.memory_space<semaphore_mem>>)
    %scan3A = arith.constant 0 : i32
    %scan3A_12 = arith.constant 0 : i32
    %scan3A_13 = arith.constant 128 : i32
    %scan3A_14 = arith.addi %scan3A_12, %scan3A_13 : i32
    %scan3A_15 = arith.constant 1 : i32
    scf.for %scan3A_69 = %scan3A_12 to %scan3A_14 step %scan3A_15  : i32 {
      %swap3A = arith.index_cast %scan3A_69 : i32 to index
      %swap3A_70 = arith.constant 0 : index
      %swap3A_71 = tpu.vector_load %arg8[%swap3A, %swap3A_70] {strides = array<i32>} : memref<128x128xf32, #tpu.memory_space<vmem>>, vector<16xf32>,
      tpu.vector_store %arg8[%swap3A, %swap3A_70], %broadcast_in_dim3A_1 {strides = array<i32>} : memref<128x128xf32, #tpu.memory_space<vmem>>, vector<16xf32>,
      %swap3A_72 = arith.index_cast %scan3A_69 : i32 to index
      %swap3A_73 = arith.constant 16 : index
      %swap3A_74 = tpu.vector_load %arg8[%swap3A_72, %swap3A_73] {strides = array<i32>} : memref<128x128xf32, #tpu.memory_space<vmem>>, vector<16xf32>,
      tpu.vector_store %arg8[%swap3A_72, %swap3A_73], %broadcast_in_dim3A_1 {strides = array<i32>} : memref<128x128xf32, #tpu.memory_space<vmem>>, vector<16xf32>,
      %swap3A_75 = arith.index_cast %scan3A_69 : i32 to index
      %swap3A_76 = arith.constant 32 : index
      %swap3A_77 = tpu.vector_load %arg8[%swap3A_75, %swap3A_76] {strides = array<i32>} : memref<128x128xf32, #tpu.memory_space<vmem>>, vector<16xf32>,
      tpu.vector_store %arg8[%swap3A_75, %swap3A_76], %broadcast_in_dim3A_1 {strides = array<i32>} : memref<128x128xf32, #tpu.memory_space<vmem>>, vector<16xf32>,
      %swap3A_78 = arith.index_cast %scan3A_69 : i32 to index
      %swap3A_79 = arith.constant 48 : index
      %swap3A_80 = tpu.vector_load %arg8[%swap3A_78, %swap3A_79] {strides = array<i32>} : memref<128x128xf32, #tpu.memory_space<vmem>>, vector<16xf32>,
      tpu.vector_store %arg8[%swap3A_78, %swap3A_79], %broadcast_in_dim3A_1 {strides = array<i32>} : memref<128x128xf32, #tpu.memory_space<vmem>>, vector<16xf32>,
      %swap3A_81 = arith.index_cast %scan3A_69 : i32 to index
      %swap3A_82 = arith.constant 64 : index
      %swap3A_83 = tpu.vector_load %arg8[%swap3A_81, %swap3A_82] {strides = array<i32>} : memref<128x128xf32, #tpu.memory_space<vmem>>, vector<16xf32>,
      tpu.vector_store %arg8[%swap3A_81, %swap3A_82], %broadcast_in_dim3A_1 {strides = array<i32>} : memref<128x128xf32, #tpu.memory_space<vmem>>, vector<16xf32>,
      %swap3A_84 = arith.index_cast %scan3A_69 : i32 to index
      %swap3A_85 = arith.constant 80 : index
      %swap3A_86 = tpu.vector_load %arg8[%swap3A_84, %swap3A_85] {strides = array<i32>} : memref<128x128xf32, #tpu.memory_space<vmem>>, vector<16xf32>,
      tpu.vector_store %arg8[%swap3A_84, %swap3A_85], %broadcast_in_dim3A_1 {strides = array<i32>} : memref<128x128xf32, #tpu.memory_space<vmem>>, vector<16xf32>,
      %swap3A_87 = arith.index_cast %scan3A_69 : i32 to index
      %swap3A_88 = arith.constant 96 : index
      %swap3A_89 = tpu.vector_load %arg8[%swap3A_87, %swap3A_88] {strides = array<i32>} : memref<128x128xf32, #tpu.memory_space<vmem>>, vector<16xf32>,
      tpu.vector_store %arg8[%swap3A_87, %swap3A_88], %broadcast_in_dim3A_1 {strides = array<i32>} : memref<128x128xf32, #tpu.memory_space<vmem>>, vector<16xf32>,
      %swap3A_90 = arith.index_cast %scan3A_69 : i32 to index
      %swap3A_91 = arith.constant 112 : index
      %swap3A_92 = tpu.vector_load %arg8[%swap3A_90, %swap3A_91] {strides = array<i32>} : memref<128x128xf32, #tpu.memory_space<vmem>>, vector<16xf32>,
      tpu.vector_store %arg8[%swap3A_90, %swap3A_91], %broadcast_in_dim3A_1 {strides = array<i32>} : memref<128x128xf32, #tpu.memory_space<vmem>>, vector<16xf32>,
    }
    %scan3A_16 = arith.constant 128 : i32
    %mul3A_17 = arith.constant 640 : i32
    %mul3A_18 = arith.muli %arg1, %mul3A_17 : i32
    %add3A_19 = arith.constant 0 : i32
    %add3A_20 = arith.addi %mul3A_18, %add3A_19 : i32
    "tpu.region"() ({
      %run_scoped3A = tpu.sem_alloc : memref<!tpu.dma_semaphore, #tpu.memory_space<semaphore_mem>>
      %dma_start3A_69 = arith.constant 0 : i32
      %dma_start3A_70 = tpu.memref_slice %arg10[%add3A_20, %dma_start3A_69] : memref<10240x128xf32, #tpu.memory_space<vmem_shared>> -> memref<128x128xf32, #tpu.memory_space<vmem_shared>>
      %dma_start3A_71 = arith.constant 0 : i32
      %dma_start3A_72 = tpu.memref_slice %arg10[%add3A_20, %dma_start3A_71] : memref<10240x128xf32, #tpu.memory_space<vmem_shared>> -> memref<128x128xf32, #tpu.memory_space<vmem_shared>>
      tpu.enqueue_dma source(%arg8 : memref<128x128xf32, #tpu.memory_space<vmem>>) target(%dma_start3A_72 : memref<128x128xf32, #tpu.memory_space<vmem_shared>>) target_semaphore(%run_scoped3A : memref<!tpu.dma_semaphore, #tpu.memory_space<semaphore_mem>>)
      %dma_wait3A = arith.constant 0 : i32
      %dma_wait3A_73 = tpu.memref_slice %arg10[%add3A_20, %dma_wait3A] : memref<10240x128xf32, #tpu.memory_space<vmem_shared>> -> memref<128x128xf32, #tpu.memory_space<vmem_shared>>
      %dma_wait3A_74 = arith.constant 0 : i32
      %dma_wait3A_75 = tpu.memref_slice %arg10[%add3A_20, %dma_wait3A_74] : memref<10240x128xf32, #tpu.memory_space<vmem_shared>> -> memref<128x128xf32, #tpu.memory_space<vmem_shared>>
      tpu.wait_dma2 semaphore(%run_scoped3A : memref<!tpu.dma_semaphore, #tpu.memory_space<semaphore_mem>>) src(%arg8 : memref<128x128xf32, #tpu.memory_space<vmem>>) dst(%dma_wait3A_75 : memref<128x128xf32, #tpu.memory_space<vmem_shared>>)
      tpu.yield
    }) : () -> ()
    %mul3A_21 = arith.constant 640 : i32
    %mul3A_22 = arith.muli %arg1, %mul3A_21 : i32
    %add3A_23 = arith.constant 128 : i32
    %add3A_24 = arith.addi %mul3A_22, %add3A_23 : i32
    "tpu.region"() ({
      %run_scoped3A = tpu.sem_alloc : memref<!tpu.dma_semaphore, #tpu.memory_space<semaphore_mem>>
      %dma_start3A_69 = arith.constant 0 : i32
      %dma_start3A_70 = tpu.memref_slice %arg10[%add3A_24, %dma_start3A_69] : memref<10240x128xf32, #tpu.memory_space<vmem_shared>> -> memref<128x128xf32, #tpu.memory_space<vmem_shared>>
      %dma_start3A_71 = arith.constant 0 : i32
      %dma_start3A_72 = tpu.memref_slice %arg10[%add3A_24, %dma_start3A_71] : memref<10240x128xf32, #tpu.memory_space<vmem_shared>> -> memref<128x128xf32, #tpu.memory_space<vmem_shared>>
      tpu.enqueue_dma source(%arg8 : memref<128x128xf32, #tpu.memory_space<vmem>>) target(%dma_start3A_72 : memref<128x128xf32, #tpu.memory_space<vmem_shared>>) target_semaphore(%run_scoped3A : memref<!tpu.dma_semaphore, #tpu.memory_space<semaphore_mem>>)
      %dma_wait3A = arith.constant 0 : i32
      %dma_wait3A_73 = tpu.memref_slice %arg10[%add3A_24, %dma_wait3A] : memref<10240x128xf32, #tpu.memory_space<vmem_shared>> -> memref<128x128xf32, #tpu.memory_space<vmem_shared>>
      %dma_wait3A_74 = arith.constant 0 : i32
      %dma_wait3A_75 = tpu.memref_slice %arg10[%add3A_24, %dma_wait3A_74] : memref<10240x128xf32, #tpu.memory_space<vmem_shared>> -> memref<128x128xf32, #tpu.memory_space<vmem_shared>>
      tpu.wait_dma2 semaphore(%run_scoped3A : memref<!tpu.dma_semaphore, #tpu.memory_space<semaphore_mem>>) src(%arg8 : memref<128x128xf32, #tpu.memory_space<vmem>>) dst(%dma_wait3A_75 : memref<128x128xf32, #tpu.memory_space<vmem_shared>>)
      tpu.yield
    }) : () -> ()
    %mul3A_25 = arith.constant 640 : i32
    %mul3A_26 = arith.muli %arg1, %mul3A_25 : i32
    %add3A_27 = arith.constant 256 : i32
    %add3A_28 = arith.addi %mul3A_26, %add3A_27 : i32
    "tpu.region"() ({
      %run_scoped3A = tpu.sem_alloc : memref<!tpu.dma_semaphore, #tpu.memory_space<semaphore_mem>>
      %dma_start3A_69 = arith.constant 0 : i32
      %dma_start3A_70 = tpu.memref_slice %arg10[%add3A_28, %dma_start3A_69] : memref<10240x128xf32, #tpu.memory_space<vmem_shared>> -> memref<128x128xf32, #tpu.memory_space<vmem_shared>>
      %dma_start3A_71 = arith.constant 0 : i32
      %dma_start3A_72 = tpu.memref_slice %arg10[%add3A_28, %dma_start3A_71] : memref<10240x128xf32, #tpu.memory_space<vmem_shared>> -> memref<128x128xf32, #tpu.memory_space<vmem_shared>>
      tpu.enqueue_dma source(%arg8 : memref<128x128xf32, #tpu.memory_space<vmem>>) target(%dma_start3A_72 : memref<128x128xf32, #tpu.memory_space<vmem_shared>>) target_semaphore(%run_scoped3A : memref<!tpu.dma_semaphore, #tpu.memory_space<semaphore_mem>>)
      %dma_wait3A = arith.constant 0 : i32
      %dma_wait3A_73 = tpu.memref_slice %arg10[%add3A_28, %dma_wait3A] : memref<10240x128xf32, #tpu.memory_space<vmem_shared>> -> memref<128x128xf32, #tpu.memory_space<vmem_shared>>
      %dma_wait3A_74 = arith.constant 0 : i32
      %dma_wait3A_75 = tpu.memref_slice %arg10[%add3A_28, %dma_wait3A_74] : memref<10240x128xf32, #tpu.memory_space<vmem_shared>> -> memref<128x128xf32, #tpu.memory_space<vmem_shared>>
      tpu.wait_dma2 semaphore(%run_scoped3A : memref<!tpu.dma_semaphore, #tpu.memory_space<semaphore_mem>>) src(%arg8 : memref<128x128xf32, #tpu.memory_space<vmem>>) dst(%dma_wait3A_75 : memref<128x128xf32, #tpu.memory_space<vmem_shared>>)
      tpu.yield
    }) : () -> ()
    %mul3A_29 = arith.constant 640 : i32
    %mul3A_30 = arith.muli %arg1, %mul3A_29 : i32
    %add3A_31 = arith.constant 384 : i32
    %add3A_32 = arith.addi %mul3A_30, %add3A_31 : i32
    "tpu.region"() ({
      %run_scoped3A = tpu.sem_alloc : memref<!tpu.dma_semaphore, #tpu.memory_space<semaphore_mem>>
      %dma_start3A_69 = arith.constant 0 : i32
      %dma_start3A_70 = tpu.memref_slice %arg10[%add3A_32, %dma_start3A_69] : memref<10240x128xf32, #tpu.memory_space<vmem_shared>> -> memref<128x128xf32, #tpu.memory_space<vmem_shared>>
      %dma_start3A_71 = arith.constant 0 : i32
      %dma_start3A_72 = tpu.memref_slice %arg10[%add3A_32, %dma_start3A_71] : memref<10240x128xf32, #tpu.memory_space<vmem_shared>> -> memref<128x128xf32, #tpu.memory_space<vmem_shared>>
      tpu.enqueue_dma source(%arg8 : memref<128x128xf32, #tpu.memory_space<vmem>>) target(%dma_start3A_72 : memref<128x128xf32, #tpu.memory_space<vmem_shared>>) target_semaphore(%run_scoped3A : memref<!tpu.dma_semaphore, #tpu.memory_space<semaphore_mem>>)
      %dma_wait3A = arith.constant 0 : i32
      %dma_wait3A_73 = tpu.memref_slice %arg10[%add3A_32, %dma_wait3A] : memref<10240x128xf32, #tpu.memory_space<vmem_shared>> -> memref<128x128xf32, #tpu.memory_space<vmem_shared>>
      %dma_wait3A_74 = arith.constant 0 : i32
      %dma_wait3A_75 = tpu.memref_slice %arg10[%add3A_32, %dma_wait3A_74] : memref<10240x128xf32, #tpu.memory_space<vmem_shared>> -> memref<128x128xf32, #tpu.memory_space<vmem_shared>>
      tpu.wait_dma2 semaphore(%run_scoped3A : memref<!tpu.dma_semaphore, #tpu.memory_space<semaphore_mem>>) src(%arg8 : memref<128x128xf32, #tpu.memory_space<vmem>>) dst(%dma_wait3A_75 : memref<128x128xf32, #tpu.memory_space<vmem_shared>>)
      tpu.yield
    }) : () -> ()
    %mul3A_33 = arith.constant 640 : i32
    %mul3A_34 = arith.muli %arg1, %mul3A_33 : i32
    %add3A_35 = arith.constant 512 : i32
    %add3A_36 = arith.addi %mul3A_34, %add3A_35 : i32
    "tpu.region"() ({
      %run_scoped3A = tpu.sem_alloc : memref<!tpu.dma_semaphore, #tpu.memory_space<semaphore_mem>>
      %dma_start3A_69 = arith.constant 0 : i32
      %dma_start3A_70 = tpu.memref_slice %arg10[%add3A_36, %dma_start3A_69] : memref<10240x128xf32, #tpu.memory_space<vmem_shared>> -> memref<128x128xf32, #tpu.memory_space<vmem_shared>>
      %dma_start3A_71 = arith.constant 0 : i32
      %dma_start3A_72 = tpu.memref_slice %arg10[%add3A_36, %dma_start3A_71] : memref<10240x128xf32, #tpu.memory_space<vmem_shared>> -> memref<128x128xf32, #tpu.memory_space<vmem_shared>>
      tpu.enqueue_dma source(%arg8 : memref<128x128xf32, #tpu.memory_space<vmem>>) target(%dma_start3A_72 : memref<128x128xf32, #tpu.memory_space<vmem_shared>>) target_semaphore(%run_scoped3A : memref<!tpu.dma_semaphore, #tpu.memory_space<semaphore_mem>>)
      %dma_wait3A = arith.constant 0 : i32
      %dma_wait3A_73 = tpu.memref_slice %arg10[%add3A_36, %dma_wait3A] : memref<10240x128xf32, #tpu.memory_space<vmem_shared>> -> memref<128x128xf32, #tpu.memory_space<vmem_shared>>
      %dma_wait3A_74 = arith.constant 0 : i32
      %dma_wait3A_75 = tpu.memref_slice %arg10[%add3A_36, %dma_wait3A_74] : memref<10240x128xf32, #tpu.memory_space<vmem_shared>> -> memref<128x128xf32, #tpu.memory_space<vmem_shared>>
      tpu.wait_dma2 semaphore(%run_scoped3A : memref<!tpu.dma_semaphore, #tpu.memory_space<semaphore_mem>>) src(%arg8 : memref<128x128xf32, #tpu.memory_space<vmem>>) dst(%dma_wait3A_75 : memref<128x128xf32, #tpu.memory_space<vmem_shared>>)
      tpu.yield
    }) : () -> ()
    %barrier3A = arith.constant 0 : index
    tpu.barrier barrier_id(%barrier3A)
    %scan3A_37 = arith.constant 0 : i32
    %scan3A_38 = arith.constant 0 : i32
    %scan3A_39 = arith.constant 20 : i32
    %scan3A_40 = arith.addi %scan3A_38, %scan3A_39 : i32
    %scan3A_41 = arith.constant 1 : i32
    scf.for %scan3A_69 = %scan3A_38 to %scan3A_40 step %scan3A_41  : i32 {
      %mul3A_70 = arith.constant 2 : i32
      %mul3A_71 = arith.muli %mul3A_70, %scan3A_69 : i32
      %mul3A_72 = arith.constant 2 : i32
      %mul3A_73 = arith.muli %mul3A_72, %scan3A_69 : i32
      %add3A_74 = arith.constant 1 : i32
      %add3A_75 = arith.addi %mul3A_73, %add3A_74 : i32
      %dma_start3A_76 = arith.constant 0 : i32
      %dma_start3A_77 = tpu.memref_slice %arg6[%add3A_75, %dma_start3A_76] : memref<40x128xi32, #tpu.memory_space<vmem>> -> memref<1x128xi32, #tpu.memory_space<vmem>>
      %dma_start3A_78 = tpu.memref_squeeze %dma_start3A_77 : memref<1x128xi32, #tpu.memory_space<vmem>> -> memref<128xi32, #tpu.memory_space<vmem>>
      %dma_start3A_79 = arith.constant 0 : i32
      %dma_start3A_80 = arith.constant 0 : i32
      %dma_start3A_81 = tpu.memref_slice %arg4[%dma_start3A_79, %dma_start3A_80] : memref<10000x128xf32, #tpu.memory_space<hbm>> -> memref<10000x128xf32, #tpu.memory_space<hbm>>
      tpu.enqueue_indirect_dma source(%dma_start3A_81 : memref<10000x128xf32, #tpu.memory_space<hbm>>) target(%arg8 : memref<128x128xf32, #tpu.memory_space<vmem>>) offsets(%dma_start3A_78 : memref<128xi32, #tpu.memory_space<vmem>>) semaphore(%arg11 : memref<!tpu.dma_semaphore, #tpu.memory_space<semaphore_mem>>)
      %dma_wait3A = arith.constant 0 : i32
      %dma_wait3A_82 = tpu.memref_slice %arg6[%mul3A_71, %dma_wait3A] : memref<40x128xi32, #tpu.memory_space<vmem>> -> memref<1x128xi32, #tpu.memory_space<vmem>>
      %dma_wait3A_83 = tpu.memref_squeeze %dma_wait3A_82 : memref<1x128xi32, #tpu.memory_space<vmem>> -> memref<128xi32, #tpu.memory_space<vmem>>
      %dma_wait3A_84 = arith.constant 0 : i32
      %dma_wait3A_85 = arith.constant 0 : i32
      %dma_wait3A_86 = tpu.memref_slice %arg4[%dma_wait3A_84, %dma_wait3A_85] : memref<10000x128xf32, #tpu.memory_space<hbm>> -> memref<10000x128xf32, #tpu.memory_space<hbm>>
      tpu.wait_indirect_dma semaphore(%arg12 : memref<!tpu.dma_semaphore, #tpu.memory_space<semaphore_mem>>) src(%dma_wait3A_86 : memref<10000x128xf32, #tpu.memory_space<hbm>>) dst(%arg9 : memref<128x128xf32, #tpu.memory_space<vmem>>)
      "tpu.region"() ({
        %run_scoped3A = tpu.sem_alloc : memref<!tpu.dma_semaphore, #tpu.memory_space<semaphore_mem>>
        %dma_start3A_97 = arith.constant 0 : i32
        %dma_start3A_98 = tpu.memref_slice %arg7[%mul3A_71, %dma_start3A_97] : memref<40x128xi32, #tpu.memory_space<vmem>> -> memref<1x128xi32, #tpu.memory_space<vmem>>
        %dma_start3A_99 = tpu.memref_squeeze %dma_start3A_98 : memref<1x128xi32, #tpu.memory_space<vmem>> -> memref<128xi32, #tpu.memory_space<vmem>>
        %dma_start3A_100 = arith.constant 0 : i32
        %dma_start3A_101 = arith.constant 0 : i32
        %dma_start3A_102 = tpu.memref_slice %arg10[%dma_start3A_100, %dma_start3A_101] : memref<10240x128xf32, #tpu.memory_space<vmem_shared>> -> memref<10240x128xf32, #tpu.memory_space<vmem_shared>>
        tpu.enqueue_indirect_dma source(%arg9 : memref<128x128xf32, #tpu.memory_space<vmem>>) target(%dma_start3A_102 : memref<10240x128xf32, #tpu.memory_space<vmem_shared>>) offsets(%dma_start3A_99 : memref<128xi32, #tpu.memory_space<vmem>>) semaphore(%run_scoped3A : memref<!tpu.dma_semaphore, #tpu.memory_space<semaphore_mem>>) {add = true}
        %dma_wait3A_103 = arith.constant 0 : i32
        %dma_wait3A_104 = tpu.memref_slice %arg7[%mul3A_71, %dma_wait3A_103] : memref<40x128xi32, #tpu.memory_space<vmem>> -> memref<1x128xi32, #tpu.memory_space<vmem>>
        %dma_wait3A_105 = tpu.memref_squeeze %dma_wait3A_104 : memref<1x128xi32, #tpu.memory_space<vmem>> -> memref<128xi32, #tpu.memory_space<vmem>>
        %dma_wait3A_106 = arith.constant 0 : i32
        %dma_wait3A_107 = arith.constant 0 : i32
        %dma_wait3A_108 = tpu.memref_slice %arg10[%dma_wait3A_106, %dma_wait3A_107] : memref<10240x128xf32, #tpu.memory_space<vmem_shared>> -> memref<10240x128xf32, #tpu.memory_space<vmem_shared>>
        tpu.wait_indirect_dma semaphore(%run_scoped3A : memref<!tpu.dma_semaphore, #tpu.memory_space<semaphore_mem>>) src(%arg9 : memref<128x128xf32, #tpu.memory_space<vmem>>) dst(%dma_wait3A_108 : memref<10240x128xf32, #tpu.memory_space<vmem_shared>>)
        tpu.yield
      }) : () -> ()
      %add3A_87 = arith.constant 1 : i32
      %add3A_88 = arith.addi %add3A_75, %add3A_87 : i32
      %lt3A = arith.constant 40 : i32
      %lt3A_89 = arith.cmpi slt, %add3A_88, %lt3A : i32
      %convert_element_type3A = arith.extui %lt3A_89 : i1 to i32
      %cond3A = arith.constant 0 : i32
      %cond3A_90 = arith.cmpi ne, %convert_element_type3A, %cond3A : i32
      scf.if %cond3A_90 {
        %add3A_97 = arith.constant 1 : i32
        %add3A_98 = arith.addi %add3A_75, %add3A_97 : i32
        %dma_start3A_99 = arith.constant 0 : i32
        %dma_start3A_100 = tpu.memref_slice %arg6[%add3A_98, %dma_start3A_99] : memref<40x128xi32, #tpu.memory_space<vmem>> -> memref<1x128xi32, #tpu.memory_space<vmem>>
        %dma_start3A_101 = tpu.memref_squeeze %dma_start3A_100 : memref<1x128xi32, #tpu.memory_space<vmem>> -> memref<128xi32, #tpu.memory_space<vmem>>
        %dma_start3A_102 = arith.constant 0 : i32
        %dma_start3A_103 = arith.constant 0 : i32
        %dma_start3A_104 = tpu.memref_slice %arg4[%dma_start3A_102, %dma_start3A_103] : memref<10000x128xf32, #tpu.memory_space<hbm>> -> memref<10000x128xf32, #tpu.memory_space<hbm>>
        tpu.enqueue_indirect_dma source(%dma_start3A_104 : memref<10000x128xf32, #tpu.memory_space<hbm>>) target(%arg9 : memref<128x128xf32, #tpu.memory_space<vmem>>) offsets(%dma_start3A_101 : memref<128xi32, #tpu.memory_space<vmem>>) semaphore(%arg12 : memref<!tpu.dma_semaphore, #tpu.memory_space<semaphore_mem>>)
      } else {
      }
      %dma_wait3A_91 = arith.constant 0 : i32
      %dma_wait3A_92 = tpu.memref_slice %arg6[%add3A_75, %dma_wait3A_91] : memref<40x128xi32, #tpu.memory_space<vmem>> -> memref<1x128xi32, #tpu.memory_space<vmem>>
      %dma_wait3A_93 = tpu.memref_squeeze %dma_wait3A_92 : memref<1x128xi32, #tpu.memory_space<vmem>> -> memref<128xi32, #tpu.memory_space<vmem>>
      %dma_wait3A_94 = arith.constant 0 : i32
      %dma_wait3A_95 = arith.constant 0 : i32
      %dma_wait3A_96 = tpu.memref_slice %arg4[%dma_wait3A_94, %dma_wait3A_95] : memref<10000x128xf32, #tpu.memory_space<hbm>> -> memref<10000x128xf32, #tpu.memory_space<hbm>>
      tpu.wait_indirect_dma semaphore(%arg11 : memref<!tpu.dma_semaphore, #tpu.memory_space<semaphore_mem>>) src(%dma_wait3A_96 : memref<10000x128xf32, #tpu.memory_space<hbm>>) dst(%arg8 : memref<128x128xf32, #tpu.memory_space<vmem>>)
      "tpu.region"() ({
        %run_scoped3A = tpu.sem_alloc : memref<!tpu.dma_semaphore, #tpu.memory_space<semaphore_mem>>
        %dma_start3A_97 = arith.constant 0 : i32
        %dma_start3A_98 = tpu.memref_slice %arg7[%add3A_75, %dma_start3A_97] : memref<40x128xi32, #tpu.memory_space<vmem>> -> memref<1x128xi32, #tpu.memory_space<vmem>>
        %dma_start3A_99 = tpu.memref_squeeze %dma_start3A_98 : memref<1x128xi32, #tpu.memory_space<vmem>> -> memref<128xi32, #tpu.memory_space<vmem>>
        %dma_start3A_100 = arith.constant 0 : i32
        %dma_start3A_101 = arith.constant 0 : i32
        %dma_start3A_102 = tpu.memref_slice %arg10[%dma_start3A_100, %dma_start3A_101] : memref<10240x128xf32, #tpu.memory_space<vmem_shared>> -> memref<10240x128xf32, #tpu.memory_space<vmem_shared>>
        tpu.enqueue_indirect_dma source(%arg8 : memref<128x128xf32, #tpu.memory_space<vmem>>) target(%dma_start3A_102 : memref<10240x128xf32, #tpu.memory_space<vmem_shared>>) offsets(%dma_start3A_99 : memref<128xi32, #tpu.memory_space<vmem>>) semaphore(%run_scoped3A : memref<!tpu.dma_semaphore, #tpu.memory_space<semaphore_mem>>) {add = true}
        %dma_wait3A_103 = arith.constant 0 : i32
        %dma_wait3A_104 = tpu.memref_slice %arg7[%add3A_75, %dma_wait3A_103] : memref<40x128xi32, #tpu.memory_space<vmem>> -> memref<1x128xi32, #tpu.memory_space<vmem>>
        %dma_wait3A_105 = tpu.memref_squeeze %dma_wait3A_104 : memref<1x128xi32, #tpu.memory_space<vmem>> -> memref<128xi32, #tpu.memory_space<vmem>>
        %dma_wait3A_106 = arith.constant 0 : i32
        %dma_wait3A_107 = arith.constant 0 : i32
        %dma_wait3A_108 = tpu.memref_slice %arg10[%dma_wait3A_106, %dma_wait3A_107] : memref<10240x128xf32, #tpu.memory_space<vmem_shared>> -> memref<10240x128xf32, #tpu.memory_space<vmem_shared>>
        tpu.wait_indirect_dma semaphore(%run_scoped3A : memref<!tpu.dma_semaphore, #tpu.memory_space<semaphore_mem>>) src(%arg8 : memref<128x128xf32, #tpu.memory_space<vmem>>) dst(%dma_wait3A_108 : memref<10240x128xf32, #tpu.memory_space<vmem_shared>>)
        tpu.yield
      }) : () -> ()
    }
    %scan3A_42 = arith.constant 20 : i32
    %mul3A_43 = arith.constant 80 : i32
    %mul3A_44 = arith.muli %add3A, %mul3A_43 : i32
    %add3A_45 = arith.constant 40 : i32
    %add3A_46 = arith.addi %mul3A_44, %add3A_45 : i32
    "tpu.region"() ({
      %run_scoped3A = tpu.sem_alloc : memref<!tpu.dma_semaphore, #tpu.memory_space<semaphore_mem>>
      %dma_start3A_69 = arith.constant 0 : i32
      %dma_start3A_70 = tpu.memref_slice %arg2[%add3A_46, %dma_start3A_69] : memref<2560x128xi32, #tpu.memory_space<hbm>> -> memref<40x128xi32, #tpu.memory_space<hbm>>
      %dma_start3A_71 = arith.constant 0 : i32
      %dma_start3A_72 = tpu.memref_slice %arg2[%add3A_46, %dma_start3A_71] : memref<2560x128xi32, #tpu.memory_space<hbm>> -> memref<40x128xi32, #tpu.memory_space<hbm>>
      tpu.enqueue_dma source(%dma_start3A_72 : memref<40x128xi32, #tpu.memory_space<hbm>>) target(%arg6 : memref<40x128xi32, #tpu.memory_space<vmem>>) target_semaphore(%run_scoped3A : memref<!tpu.dma_semaphore, #tpu.memory_space<semaphore_mem>>)
      %dma_wait3A = arith.constant 0 : i32
      %dma_wait3A_73 = tpu.memref_slice %arg2[%add3A_46, %dma_wait3A] : memref<2560x128xi32, #tpu.memory_space<hbm>> -> memref<40x128xi32, #tpu.memory_space<hbm>>
      %dma_wait3A_74 = arith.constant 0 : i32
      %dma_wait3A_75 = tpu.memref_slice %arg2[%add3A_46, %dma_wait3A_74] : memref<2560x128xi32, #tpu.memory_space<hbm>> -> memref<40x128xi32, #tpu.memory_space<hbm>>
      tpu.wait_dma2 semaphore(%run_scoped3A : memref<!tpu.dma_semaphore, #tpu.memory_space<semaphore_mem>>) src(%dma_wait3A_75 : memref<40x128xi32, #tpu.memory_space<hbm>>) dst(%arg6 : memref<40x128xi32, #tpu.memory_space<vmem>>)
      tpu.yield
    }) : () -> ()
    %mul3A_47 = arith.constant 80 : i32
    %mul3A_48 = arith.muli %add3A, %mul3A_47 : i32
    %add3A_49 = arith.constant 40 : i32
    %add3A_50 = arith.addi %mul3A_48, %add3A_49 : i32
    "tpu.region"() ({
      %run_scoped3A = tpu.sem_alloc : memref<!tpu.dma_semaphore, #tpu.memory_space<semaphore_mem>>
      %dma_start3A_69 = arith.constant 0 : i32
      %dma_start3A_70 = tpu.memref_slice %arg3[%add3A_50, %dma_start3A_69] : memref<2560x128xi32, #tpu.memory_space<hbm>> -> memref<40x128xi32, #tpu.memory_space<hbm>>
      %dma_start3A_71 = arith.constant 0 : i32
      %dma_start3A_72 = tpu.memref_slice %arg3[%add3A_50, %dma_start3A_71] : memref<2560x128xi32, #tpu.memory_space<hbm>> -> memref<40x128xi32, #tpu.memory_space<hbm>>
      tpu.enqueue_dma source(%dma_start3A_72 : memref<40x128xi32, #tpu.memory_space<hbm>>) target(%arg7 : memref<40x128xi32, #tpu.memory_space<vmem>>) target_semaphore(%run_scoped3A : memref<!tpu.dma_semaphore, #tpu.memory_space<semaphore_mem>>)
      %dma_wait3A = arith.constant 0 : i32
      %dma_wait3A_73 = tpu.memref_slice %arg3[%add3A_50, %dma_wait3A] : memref<2560x128xi32, #tpu.memory_space<hbm>> -> memref<40x128xi32, #tpu.memory_space<hbm>>
      %dma_wait3A_74 = arith.constant 0 : i32
      %dma_wait3A_75 = tpu.memref_slice %arg3[%add3A_50, %dma_wait3A_74] : memref<2560x128xi32, #tpu.memory_space<hbm>> -> memref<40x128xi32, #tpu.memory_space<hbm>>
      tpu.wait_dma2 semaphore(%run_scoped3A : memref<!tpu.dma_semaphore, #tpu.memory_space<semaphore_mem>>) src(%dma_wait3A_75 : memref<40x128xi32, #tpu.memory_space<hbm>>) dst(%arg7 : memref<40x128xi32, #tpu.memory_space<vmem>>)
      tpu.yield
    }) : () -> ()
    %dma_start3A_51 = arith.constant 0 : i32
    %dma_start3A_52 = arith.constant 0 : i32
    %dma_start3A_53 = tpu.memref_slice %arg6[%dma_start3A_51, %dma_start3A_52] : memref<40x128xi32, #tpu.memory_space<vmem>> -> memref<1x128xi32, #tpu.memory_space<vmem>>
    %dma_start3A_54 = tpu.memref_squeeze %dma_start3A_53 : memref<1x128xi32, #tpu.memory_space<vmem>> -> memref<128xi32, #tpu.memory_space<vmem>>
    %dma_start3A_55 = arith.constant 0 : i32
    %dma_start3A_56 = arith.constant 0 : i32
    %dma_start3A_57 = tpu.memref_slice %arg4[%dma_start3A_55, %dma_start3A_56] : memref<10000x128xf32, #tpu.memory_space<hbm>> -> memref<10000x128xf32, #tpu.memory_space<hbm>>
    tpu.enqueue_indirect_dma source(%dma_start3A_57 : memref<10000x128xf32, #tpu.memory_space<hbm>>) target(%arg9 : memref<128x128xf32, #tpu.memory_space<vmem>>) offsets(%dma_start3A_54 : memref<128xi32, #tpu.memory_space<vmem>>) semaphore(%arg12 : memref<!tpu.dma_semaphore, #tpu.memory_space<semaphore_mem>>)
    %scan3A_58 = arith.constant 0 : i32
    %scan3A_59 = arith.constant 0 : i32
    %scan3A_60 = arith.constant 20 : i32
    %scan3A_61 = arith.addi %scan3A_59, %scan3A_60 : i32
    %scan3A_62 = arith.constant 1 : i32
    scf.for %scan3A_69 = %scan3A_59 to %scan3A_61 step %scan3A_62  : i32 {
      %mul3A_70 = arith.constant 2 : i32
      %mul3A_71 = arith.muli %mul3A_70, %scan3A_69 : i32
      %mul3A_72 = arith.constant 2 : i32
      %mul3A_73 = arith.muli %mul3A_72, %scan3A_69 : i32
      %add3A_74 = arith.constant 1 : i32
      %add3A_75 = arith.addi %mul3A_73, %add3A_74 : i32
      %dma_start3A_76 = arith.constant 0 : i32
      %dma_start3A_77 = tpu.memref_slice %arg6[%add3A_75, %dma_start3A_76] : memref<40x128xi32, #tpu.memory_space<vmem>> -> memref<1x128xi32, #tpu.memory_space<vmem>>
      %dma_start3A_78 = tpu.memref_squeeze %dma_start3A_77 : memref<1x128xi32, #tpu.memory_space<vmem>> -> memref<128xi32, #tpu.memory_space<vmem>>
      %dma_start3A_79 = arith.constant 0 : i32
      %dma_start3A_80 = arith.constant 0 : i32
      %dma_start3A_81 = tpu.memref_slice %arg4[%dma_start3A_79, %dma_start3A_80] : memref<10000x128xf32, #tpu.memory_space<hbm>> -> memref<10000x128xf32, #tpu.memory_space<hbm>>
      tpu.enqueue_indirect_dma source(%dma_start3A_81 : memref<10000x128xf32, #tpu.memory_space<hbm>>) target(%arg8 : memref<128x128xf32, #tpu.memory_space<vmem>>) offsets(%dma_start3A_78 : memref<128xi32, #tpu.memory_space<vmem>>) semaphore(%arg11 : memref<!tpu.dma_semaphore, #tpu.memory_space<semaphore_mem>>)
      %dma_wait3A = arith.constant 0 : i32
      %dma_wait3A_82 = tpu.memref_slice %arg6[%mul3A_71, %dma_wait3A] : memref<40x128xi32, #tpu.memory_space<vmem>> -> memref<1x128xi32, #tpu.memory_space<vmem>>
      %dma_wait3A_83 = tpu.memref_squeeze %dma_wait3A_82 : memref<1x128xi32, #tpu.memory_space<vmem>> -> memref<128xi32, #tpu.memory_space<vmem>>
      %dma_wait3A_84 = arith.constant 0 : i32
      %dma_wait3A_85 = arith.constant 0 : i32
      %dma_wait3A_86 = tpu.memref_slice %arg4[%dma_wait3A_84, %dma_wait3A_85] : memref<10000x128xf32, #tpu.memory_space<hbm>> -> memref<10000x128xf32, #tpu.memory_space<hbm>>
      tpu.wait_indirect_dma semaphore(%arg12 : memref<!tpu.dma_semaphore, #tpu.memory_space<semaphore_mem>>) src(%dma_wait3A_86 : memref<10000x128xf32, #tpu.memory_space<hbm>>) dst(%arg9 : memref<128x128xf32, #tpu.memory_space<vmem>>)
      "tpu.region"() ({
        %run_scoped3A = tpu.sem_alloc : memref<!tpu.dma_semaphore, #tpu.memory_space<semaphore_mem>>
        %dma_start3A_97 = arith.constant 0 : i32
        %dma_start3A_98 = tpu.memref_slice %arg7[%mul3A_71, %dma_start3A_97] : memref<40x128xi32, #tpu.memory_space<vmem>> -> memref<1x128xi32, #tpu.memory_space<vmem>>
        %dma_start3A_99 = tpu.memref_squeeze %dma_start3A_98 : memref<1x128xi32, #tpu.memory_space<vmem>> -> memref<128xi32, #tpu.memory_space<vmem>>
        %dma_start3A_100 = arith.constant 0 : i32
        %dma_start3A_101 = arith.constant 0 : i32
        %dma_start3A_102 = tpu.memref_slice %arg10[%dma_start3A_100, %dma_start3A_101] : memref<10240x128xf32, #tpu.memory_space<vmem_shared>> -> memref<10240x128xf32, #tpu.memory_space<vmem_shared>>
        tpu.enqueue_indirect_dma source(%arg9 : memref<128x128xf32, #tpu.memory_space<vmem>>) target(%dma_start3A_102 : memref<10240x128xf32, #tpu.memory_space<vmem_shared>>) offsets(%dma_start3A_99 : memref<128xi32, #tpu.memory_space<vmem>>) semaphore(%run_scoped3A : memref<!tpu.dma_semaphore, #tpu.memory_space<semaphore_mem>>) {add = true}
        %dma_wait3A_103 = arith.constant 0 : i32
        %dma_wait3A_104 = tpu.memref_slice %arg7[%mul3A_71, %dma_wait3A_103] : memref<40x128xi32, #tpu.memory_space<vmem>> -> memref<1x128xi32, #tpu.memory_space<vmem>>
        %dma_wait3A_105 = tpu.memref_squeeze %dma_wait3A_104 : memref<1x128xi32, #tpu.memory_space<vmem>> -> memref<128xi32, #tpu.memory_space<vmem>>
        %dma_wait3A_106 = arith.constant 0 : i32
        %dma_wait3A_107 = arith.constant 0 : i32
        %dma_wait3A_108 = tpu.memref_slice %arg10[%dma_wait3A_106, %dma_wait3A_107] : memref<10240x128xf32, #tpu.memory_space<vmem_shared>> -> memref<10240x128xf32, #tpu.memory_space<vmem_shared>>
        tpu.wait_indirect_dma semaphore(%run_scoped3A : memref<!tpu.dma_semaphore, #tpu.memory_space<semaphore_mem>>) src(%arg9 : memref<128x128xf32, #tpu.memory_space<vmem>>) dst(%dma_wait3A_108 : memref<10240x128xf32, #tpu.memory_space<vmem_shared>>)
        tpu.yield
      }) : () -> ()
      %add3A_87 = arith.constant 1 : i32
      %add3A_88 = arith.addi %add3A_75, %add3A_87 : i32
      %lt3A = arith.constant 40 : i32
      %lt3A_89 = arith.cmpi slt, %add3A_88, %lt3A : i32
      %convert_element_type3A = arith.extui %lt3A_89 : i1 to i32
      %cond3A = arith.constant 0 : i32
      %cond3A_90 = arith.cmpi ne, %convert_element_type3A, %cond3A : i32
      scf.if %cond3A_90 {
        %add3A_97 = arith.constant 1 : i32
        %add3A_98 = arith.addi %add3A_75, %add3A_97 : i32
        %dma_start3A_99 = arith.constant 0 : i32
        %dma_start3A_100 = tpu.memref_slice %arg6[%add3A_98, %dma_start3A_99] : memref<40x128xi32, #tpu.memory_space<vmem>> -> memref<1x128xi32, #tpu.memory_space<vmem>>
        %dma_start3A_101 = tpu.memref_squeeze %dma_start3A_100 : memref<1x128xi32, #tpu.memory_space<vmem>> -> memref<128xi32, #tpu.memory_space<vmem>>
        %dma_start3A_102 = arith.constant 0 : i32
        %dma_start3A_103 = arith.constant 0 : i32
        %dma_start3A_104 = tpu.memref_slice %arg4[%dma_start3A_102, %dma_start3A_103] : memref<10000x128xf32, #tpu.memory_space<hbm>> -> memref<10000x128xf32, #tpu.memory_space<hbm>>
        tpu.enqueue_indirect_dma source(%dma_start3A_104 : memref<10000x128xf32, #tpu.memory_space<hbm>>) target(%arg9 : memref<128x128xf32, #tpu.memory_space<vmem>>) offsets(%dma_start3A_101 : memref<128xi32, #tpu.memory_space<vmem>>) semaphore(%arg12 : memref<!tpu.dma_semaphore, #tpu.memory_space<semaphore_mem>>)
      } else {
      }
      %dma_wait3A_91 = arith.constant 0 : i32
      %dma_wait3A_92 = tpu.memref_slice %arg6[%add3A_75, %dma_wait3A_91] : memref<40x128xi32, #tpu.memory_space<vmem>> -> memref<1x128xi32, #tpu.memory_space<vmem>>
      %dma_wait3A_93 = tpu.memref_squeeze %dma_wait3A_92 : memref<1x128xi32, #tpu.memory_space<vmem>> -> memref<128xi32, #tpu.memory_space<vmem>>
      %dma_wait3A_94 = arith.constant 0 : i32
      %dma_wait3A_95 = arith.constant 0 : i32
      %dma_wait3A_96 = tpu.memref_slice %arg4[%dma_wait3A_94, %dma_wait3A_95] : memref<10000x128xf32, #tpu.memory_space<hbm>> -> memref<10000x128xf32, #tpu.memory_space<hbm>>
      tpu.wait_indirect_dma semaphore(%arg11 : memref<!tpu.dma_semaphore, #tpu.memory_space<semaphore_mem>>) src(%dma_wait3A_96 : memref<10000x128xf32, #tpu.memory_space<hbm>>) dst(%arg8 : memref<128x128xf32, #tpu.memory_space<vmem>>)
      "tpu.region"() ({
        %run_scoped3A = tpu.sem_alloc : memref<!tpu.dma_semaphore, #tpu.memory_space<semaphore_mem>>
        %dma_start3A_97 = arith.constant 0 : i32
        %dma_start3A_98 = tpu.memref_slice %arg7[%add3A_75, %dma_start3A_97] : memref<40x128xi32, #tpu.memory_space<vmem>> -> memref<1x128xi32, #tpu.memory_space<vmem>>
        %dma_start3A_99 = tpu.memref_squeeze %dma_start3A_98 : memref<1x128xi32, #tpu.memory_space<vmem>> -> memref<128xi32, #tpu.memory_space<vmem>>
        %dma_start3A_100 = arith.constant 0 : i32
        %dma_start3A_101 = arith.constant 0 : i32
        %dma_start3A_102 = tpu.memref_slice %arg10[%dma_start3A_100, %dma_start3A_101] : memref<10240x128xf32, #tpu.memory_space<vmem_shared>> -> memref<10240x128xf32, #tpu.memory_space<vmem_shared>>
        tpu.enqueue_indirect_dma source(%arg8 : memref<128x128xf32, #tpu.memory_space<vmem>>) target(%dma_start3A_102 : memref<10240x128xf32, #tpu.memory_space<vmem_shared>>) offsets(%dma_start3A_99 : memref<128xi32, #tpu.memory_space<vmem>>) semaphore(%run_scoped3A : memref<!tpu.dma_semaphore, #tpu.memory_space<semaphore_mem>>) {add = true}
        %dma_wait3A_103 = arith.constant 0 : i32
        %dma_wait3A_104 = tpu.memref_slice %arg7[%add3A_75, %dma_wait3A_103] : memref<40x128xi32, #tpu.memory_space<vmem>> -> memref<1x128xi32, #tpu.memory_space<vmem>>
        %dma_wait3A_105 = tpu.memref_squeeze %dma_wait3A_104 : memref<1x128xi32, #tpu.memory_space<vmem>> -> memref<128xi32, #tpu.memory_space<vmem>>
        %dma_wait3A_106 = arith.constant 0 : i32
        %dma_wait3A_107 = arith.constant 0 : i32
        %dma_wait3A_108 = tpu.memref_slice %arg10[%dma_wait3A_106, %dma_wait3A_107] : memref<10240x128xf32, #tpu.memory_space<vmem_shared>> -> memref<10240x128xf32, #tpu.memory_space<vmem_shared>>
        tpu.wait_indirect_dma semaphore(%run_scoped3A : memref<!tpu.dma_semaphore, #tpu.memory_space<semaphore_mem>>) src(%arg8 : memref<128x128xf32, #tpu.memory_space<vmem>>) dst(%dma_wait3A_108 : memref<10240x128xf32, #tpu.memory_space<vmem_shared>>)
        tpu.yield
      }) : () -> ()
    }
    %scan3A_63 = arith.constant 20 : i32
    %barrier3A_64 = arith.constant 0 : index
    tpu.barrier barrier_id(%barrier3A_64)
    %mul3A_65 = arith.constant 640 : i32
    %mul3A_66 = arith.muli %arg1, %mul3A_65 : i32
    %mul3A_67 = arith.constant 640 : i32
    %mul3A_68 = arith.muli %arg1, %mul3A_67 : i32
    "tpu.region"() ({
      %run_scoped3A = tpu.sem_alloc : memref<!tpu.dma_semaphore, #tpu.memory_space<semaphore_mem>>
      %dma_start3A_69 = arith.constant 0 : i32
      %dma_start3A_70 = tpu.memref_slice %arg5[%arg0, %mul3A_68, %dma_start3A_69] : memref<2x10240x128xf32, #tpu.memory_space<hbm>> -> memref<1x640x128xf32, #tpu.memory_space<hbm>>
      %dma_start3A_71 = tpu.memref_squeeze %dma_start3A_70 : memref<1x640x128xf32, #tpu.memory_space<hbm>> -> memref<640x128xf32, #tpu.memory_space<hbm>>
      %dma_start3A_72 = arith.constant 0 : i32
      %dma_start3A_73 = tpu.memref_slice %arg10[%mul3A_66, %dma_start3A_72] : memref<10240x128xf32, #tpu.memory_space<vmem_shared>> -> memref<640x128xf32, #tpu.memory_space<vmem_shared>>
      tpu.enqueue_dma source(%dma_start3A_73 : memref<640x128xf32, #tpu.memory_space<vmem_shared>>) target(%dma_start3A_71 : memref<640x128xf32, #tpu.memory_space<hbm>>) target_semaphore(%run_scoped3A : memref<!tpu.dma_semaphore, #tpu.memory_space<semaphore_mem>>)
      %dma_wait3A = arith.constant 0 : i32
      %dma_wait3A_74 = tpu.memref_slice %arg5[%arg0, %mul3A_68, %dma_wait3A] : memref<2x10240x128xf32, #tpu.memory_space<hbm>> -> memref<1x640x128xf32, #tpu.memory_space<hbm>>
      %dma_wait3A_75 = tpu.memref_squeeze %dma_wait3A_74 : memref<1x640x128xf32, #tpu.memory_space<hbm>> -> memref<640x128xf32, #tpu.memory_space<hbm>>
      %dma_wait3A_76 = arith.constant 0 : i32
      %dma_wait3A_77 = tpu.memref_slice %arg10[%mul3A_66, %dma_wait3A_76] : memref<10240x128xf32, #tpu.memory_space<vmem_shared>> -> memref<640x128xf32, #tpu.memory_space<vmem_shared>>
      tpu.wait_dma2 semaphore(%run_scoped3A : memref<!tpu.dma_semaphore, #tpu.memory_space<semaphore_mem>>) src(%dma_wait3A_77 : memref<640x128xf32, #tpu.memory_space<vmem_shared>>) dst(%dma_wait3A_75 : memref<640x128xf32, #tpu.memory_space<hbm>>)
      tpu.yield
    }) : () -> ()
    return
  }
}

module attributes {stable_mosaic.version = 14 : i64} {
  func.func @_tc_mm_body(%arg0: memref<10000x128xf32, #tpu.memory_space<vmem>>, %arg1: memref<128x128xf32, #tpu.memory_space<vmem>>, %arg2: memref<10000x128xf32, #tpu.memory_space<vmem>>) attributes {dimension_semantics = [], scalar_prefetch = 0 : i64, scratch_operands = 0 : i64, tpu.core_type = #tpu.core_type<tc>} {
    %get3A = arith.constant 0 : index
    %get3A_0 = arith.constant 0 : index
    %get3A_1 = vector.load %arg0[%get3A, %get3A_0] : memref<10000x128xf32, #tpu.memory_space<vmem>>, vector<10000x128xf32>
    %get3A_2 = arith.constant 0 : index
    %get3A_3 = arith.constant 0 : index
    %get3A_4 = vector.load %arg1[%get3A_2, %get3A_3] : memref<128x128xf32, #tpu.memory_space<vmem>>, vector<128x128xf32>
    %dot_general3A = arith.constant dense<0.000000e+00> : vector<10000x128xf32>
    %dot_general3A_5 = tpu.matmul %get3A_1, %get3A_4, %dot_general3A {dimension_numbers = #tpu.dot_dimension_numbers<[1], [0], [0], [1], [0, 0, 1, 1], [], []>, transpose_lhs_hint = false} : vector<10000x128xf32>, vector<128x128xf32>, vector<10000x128xf32> -> vector<10000x128xf32>
    %swap3A = arith.constant 0 : index
    %swap3A_6 = arith.constant 0 : index
    %swap3A_7 = vector.load %arg2[%swap3A, %swap3A_6] : memref<10000x128xf32, #tpu.memory_space<vmem>>, vector<10000x128xf32>
    tpu.vector_store %arg2[%swap3A, %swap3A_6], %dot_general3A_5 {strides = array<i32>} : memref<10000x128xf32, #tpu.memory_space<vmem>>, vector<10000x128xf32>,
    return
  }
}

module attributes {stable_mosaic.version = 14 : i64} {
  func.func @_tc_scale_body(%arg0: memref<10000x128xf32, #tpu.memory_space<vmem>>, %arg1: memref<32x10240xf32, #tpu.memory_space<vmem>>, %arg2: memref<10000x128xf32, #tpu.memory_space<vmem>>, %arg3: memref<10000x1xf32, #tpu.memory_space<vmem>>) attributes {dimension_semantics = [], scalar_prefetch = 0 : i64, scratch_operands = 0 : i64, tpu.core_type = #tpu.core_type<tc>} {
    %get3A = arith.constant 0 : index
    %get3A_0 = arith.constant 0 : index
    %get3A_1 = vector.load %arg1[%get3A, %get3A_0] : memref<32x10240xf32, #tpu.memory_space<vmem>>, vector<32x10240xf32>
    %reduce_sum3A = arith.constant dense<0.000000e+00> : vector<10240xf32>
    %reduce_sum3A_2 = vector.multi_reduction <add>, %get3A_1, %reduce_sum3A [0] : vector<32x10240xf32> to vector<10240xf32>
    %broadcast_in_dim3A = vector.shape_cast %reduce_sum3A_2 : vector<10240xf32> to vector<1x10240xf32>
    %add3A = arith.constant 1.000000e+00 : f32
    %add3A_3 = vector.broadcast %add3A : f32 to vector<1x10240xf32>
    %add3A_4 = arith.addf %broadcast_in_dim3A, %add3A_3 : vector<1x10240xf32>
    %slice3A = vector.extract_strided_slice %add3A_4 {offsets = [0, 0], sizes = [1, 10000], strides = [1, 1]} : vector<1x10240xf32> to vector<1x10000xf32>
    %rsqrt3A = math.rsqrt %slice3A : vector<1x10000xf32>
    %transpose3A = tpu.transpose %rsqrt3A, [1, 0] : vector<1x10000xf32> -> vector<10000x1xf32>
    %get3A_5 = arith.constant 0 : index
    %get3A_6 = arith.constant 0 : index
    %get3A_7 = vector.load %arg0[%get3A_5, %get3A_6] : memref<10000x128xf32, #tpu.memory_space<vmem>>, vector<10000x128xf32>
    %mul3A = vector.broadcast %transpose3A : vector<10000x1xf32> to vector<10000x128xf32>
    %mul3A_8 = arith.mulf %get3A_7, %mul3A : vector<10000x128xf32>
    %swap3A = arith.constant 0 : index
    %swap3A_9 = arith.constant 0 : index
    %swap3A_10 = vector.load %arg2[%swap3A, %swap3A_9] : memref<10000x128xf32, #tpu.memory_space<vmem>>, vector<10000x128xf32>
    tpu.vector_store %arg2[%swap3A, %swap3A_9], %mul3A_8 {strides = array<i32>} : memref<10000x128xf32, #tpu.memory_space<vmem>>, vector<10000x128xf32>,
    %swap3A_11 = arith.constant 0 : index
    %swap3A_12 = arith.constant 0 : index
    %swap3A_13 = vector.load %arg3[%swap3A_11, %swap3A_12] : memref<10000x1xf32, #tpu.memory_space<vmem>>, vector<10000x1xf32>
    tpu.vector_store %arg3[%swap3A_11, %swap3A_12], %transpose3A {strides = array<i32>} : memref<10000x1xf32, #tpu.memory_space<vmem>>, vector<10000x1xf32>,
    return
  }
}

module attributes {stable_mosaic.version = 14 : i64} {
  func.func @_tc_epi_body(%arg0: memref<10000x128xf32, #tpu.memory_space<vmem>>, %arg1: memref<2x10240x128xf32, #tpu.memory_space<vmem>>, %arg2: memref<10000x1xf32, #tpu.memory_space<vmem>>, %arg3: memref<1x128xf32, #tpu.memory_space<vmem>>, %arg4: memref<1x128xf32, #tpu.memory_space<vmem>>, %arg5: memref<1x128xf32, #tpu.memory_space<vmem>>, %arg6: memref<10000x128xf32, #tpu.memory_space<vmem>>, %arg7: memref<10000x128xf32, #tpu.memory_space<vmem>>) attributes {dimension_semantics = [], scalar_prefetch = 0 : i64, scratch_operands = 0 : i64, tpu.core_type = #tpu.core_type<tc>} {
    %get3A = arith.constant 0 : index
    %get3A_0 = arith.constant 0 : index
    %get3A_1 = vector.load %arg0[%get3A, %get3A_0] : memref<10000x128xf32, #tpu.memory_space<vmem>>, vector<10000x128xf32>
    %get3A_2 = arith.constant 0 : index
    %get3A_3 = arith.constant 0 : index
    %get3A_4 = arith.constant 0 : index
    %get3A_5 = vector.load %arg1[%get3A_2, %get3A_3, %get3A_4] : memref<2x10240x128xf32, #tpu.memory_space<vmem>>, vector<1x10000x128xf32>
    %get3A_6 = vector.shape_cast %get3A_5 : vector<1x10000x128xf32> to vector<10000x128xf32>
    %add3A = arith.addf %get3A_1, %get3A_6 : vector<10000x128xf32>
    %get3A_7 = arith.constant 1 : index
    %get3A_8 = arith.constant 0 : index
    %get3A_9 = arith.constant 0 : index
    %get3A_10 = vector.load %arg1[%get3A_7, %get3A_8, %get3A_9] : memref<2x10240x128xf32, #tpu.memory_space<vmem>>, vector<1x10000x128xf32>
    %get3A_11 = vector.shape_cast %get3A_10 : vector<1x10000x128xf32> to vector<10000x128xf32>
    %add3A_12 = arith.addf %add3A, %get3A_11 : vector<10000x128xf32>
    %get3A_13 = arith.constant 0 : index
    %get3A_14 = arith.constant 0 : index
    %get3A_15 = vector.load %arg2[%get3A_13, %get3A_14] : memref<10000x1xf32, #tpu.memory_space<vmem>>, vector<10000x1xf32>
    %mul3A = vector.broadcast %get3A_15 : vector<10000x1xf32> to vector<10000x128xf32>
    %mul3A_16 = arith.mulf %add3A_12, %mul3A : vector<10000x128xf32>
    %get3A_17 = arith.constant 0 : index
    %get3A_18 = arith.constant 0 : index
    %get3A_19 = vector.load %arg3[%get3A_17, %get3A_18] : memref<1x128xf32, #tpu.memory_space<vmem>>, vector<1x128xf32>
    %add3A_20 = vector.broadcast %get3A_19 : vector<1x128xf32> to vector<10000x128xf32>
    %add3A_21 = arith.addf %mul3A_16, %add3A_20 : vector<10000x128xf32>
    %reduce_sum3A = arith.constant dense<0.000000e+00> : vector<10000xf32>
    %reduce_sum3A_22 = vector.multi_reduction <add>, %add3A_21, %reduce_sum3A [1] : vector<10000x128xf32> to vector<10000xf32>
    %broadcast_in_dim3A = vector.shape_cast %reduce_sum3A_22 : vector<10000xf32> to vector<10000x1xf32>
    %div3A = arith.constant 1.280000e+02 : f32
    %div3A_23 = vector.broadcast %div3A : f32 to vector<10000x1xf32>
    %div3A_24 = arith.divf %broadcast_in_dim3A, %div3A_23 : vector<10000x1xf32>
    %sub3A = vector.broadcast %div3A_24 : vector<10000x1xf32> to vector<10000x128xf32>
    %sub3A_25 = arith.subf %add3A_21, %sub3A : vector<10000x128xf32>
    %mul3A_26 = arith.mulf %sub3A_25, %sub3A_25 : vector<10000x128xf32>
    %reduce_sum3A_27 = arith.constant dense<0.000000e+00> : vector<10000xf32>
    %reduce_sum3A_28 = vector.multi_reduction <add>, %mul3A_26, %reduce_sum3A_27 [1] : vector<10000x128xf32> to vector<10000xf32>
    %broadcast_in_dim3A_29 = vector.shape_cast %reduce_sum3A_28 : vector<10000xf32> to vector<10000x1xf32>
    %div3A_30 = arith.constant 1.280000e+02 : f32
    %div3A_31 = vector.broadcast %div3A_30 : f32 to vector<10000x1xf32>
    %div3A_32 = arith.divf %broadcast_in_dim3A_29, %div3A_31 : vector<10000x1xf32>
    %add3A_33 = arith.constant 9.99999974E-6 : f32
    %add3A_34 = vector.broadcast %add3A_33 : f32 to vector<10000x1xf32>
    %add3A_35 = arith.addf %div3A_32, %add3A_34 : vector<10000x1xf32>
    %rsqrt3A = math.rsqrt %add3A_35 : vector<10000x1xf32>
    %mul3A_36 = vector.broadcast %rsqrt3A : vector<10000x1xf32> to vector<10000x128xf32>
    %mul3A_37 = arith.mulf %sub3A_25, %mul3A_36 : vector<10000x128xf32>
    %get3A_38 = arith.constant 0 : index
    %get3A_39 = arith.constant 0 : index
    %get3A_40 = vector.load %arg4[%get3A_38, %get3A_39] : memref<1x128xf32, #tpu.memory_space<vmem>>, vector<1x128xf32>
    %mul3A_41 = vector.broadcast %get3A_40 : vector<1x128xf32> to vector<10000x128xf32>
    %mul3A_42 = arith.mulf %mul3A_37, %mul3A_41 : vector<10000x128xf32>
    %get3A_43 = arith.constant 0 : index
    %get3A_44 = arith.constant 0 : index
    %get3A_45 = vector.load %arg5[%get3A_43, %get3A_44] : memref<1x128xf32, #tpu.memory_space<vmem>>, vector<1x128xf32>
    %add3A_46 = vector.broadcast %get3A_45 : vector<1x128xf32> to vector<10000x128xf32>
    %add3A_47 = arith.addf %mul3A_42, %add3A_46 : vector<10000x128xf32>
    %get3A_48 = arith.constant 0 : index
    %get3A_49 = arith.constant 0 : index
    %get3A_50 = vector.load %arg6[%get3A_48, %get3A_49] : memref<10000x128xf32, #tpu.memory_space<vmem>>, vector<10000x128xf32>
    %add3A_51 = arith.addf %add3A_47, %get3A_50 : vector<10000x128xf32>
    %max3A = arith.constant 0.000000e+00 : f32
    %max3A_52 = vector.broadcast %max3A : f32 to vector<10000x128xf32>
    %max3A_53 = arith.maximumf %add3A_51, %max3A_52 : vector<10000x128xf32>
    %swap3A = arith.constant 0 : index
    %swap3A_54 = arith.constant 0 : index
    %swap3A_55 = vector.load %arg7[%swap3A, %swap3A_54] : memref<10000x128xf32, #tpu.memory_space<vmem>>, vector<10000x128xf32>
    tpu.vector_store %arg7[%swap3A, %swap3A_54], %max3A_53 {strides = array<i32>} : memref<10000x128xf32, #tpu.memory_space<vmem>>, vector<10000x128xf32>,
    return
  }
}

</mosaic_0001>

<sc_bundles>
// kernel: kernel.10.cloned.1.call-start
scs
__scs_entry_jumppad:
0x0: {  	(pc) =	sbr.rel $0x88, $3  }
0x1: {  	(tag) =	ssettag $0x0;
	lr =	simm.s32 $0x1  }
0x2: {  	[smem:$0x3F9B] =	sst lr;
	_ =	strace $0xD0000000  }
0x3: {  	_ = 	snop  }
0x4: {  	_ = 	snop  }
0x5: {  	_ = 	snop  }
0x6: {  	_ = 	snop  }
0x7: {  	_ = 	snop  }
__scs_overlays_trampoline_lowered:
0x8: {  	[smem:$0x3FAA] =	sst s0  }
0x9: {  	[smem:$0x3FAB] =	sst s1  }
0xa: {  	[smem:$0x3FAC] =	sst s2  }
0xb: {  	[smem:$0x3FAD] =	sst s3  }
0xc: {  	[smem:$0x3FAE] =	sst s4  }
0xd: {  	[smem:$0x3FAF] =	sst s5  }
0xe: {  	[smem:$0x3FB0] =	sst s6  }
0xf: {  	[smem:$0x3FB1] =	sst s7  }
0x10: {  	[smem:$0x3FB2] =	sst s8  }
0x11: {  	[smem:$0x3FB3] =	sst s9;
	s0 =	simm.s32 @!p0 $0x0  }
0x12: {  	s1 =	sld [smem:$0x3F99];
	s0 =	simm.s32 @p0 $0x1  }
0x13: {  	[smem:$0x3FB4] =	sst s0;
	s0 =	simm.s32 @!p1 $0x0  }
0x14: {  	s2 =	sld [smem:$0x3F98];
	s0 =	simm.s32 @p1 $0x1  }
0x15: {  	[smem:$0x3FB5] =	sst s0;
	s0 =	simm.s32 @!p2 $0x0  }
0x16: {  	s3 =	sld [smem:$0x3FDB];
	s0 =	simm.s32 @p2 $0x1  }
0x17: {  	s4 =	simm.s32 $0x1BF5;
	[smem:$0x3FB7] =	sst s0  }
0x18: {  	s0 =	sld [smem:$0x3F9A];
	_ =	swait.ge [sflag:s4], $0x0  }
0x19: {  	s7 =	sld [smem:$0x3F9B]  }
0x1a: {  	s8 =	sadd.s32 $0xFFFFE003, lr  }
0x1b: {  	s9 =	sadd.s32 $0xFFFFFEF7, lr;
	s5 =	simm.s32 $0xFFFFFFFF;
	p2 =	slt.u32 s8, $0xFFFFF086  }
0x1c: {  	p1 =	slt.u32 s9, $0xF7A;
	s5 =	simm.s32 @!p2 $0x0  }
0x1d: {  	s5 =	simm.s32 @p1 $0x1;
	p0 =	seq.s32 s7, s2  }
0x1e: {  	s7 =	smul.u32 @!p0 $0xF7A, s2;
	p2 =	seq.s32 @!p0 s5, $0x0  }
0x1f: {  	s9 =	smul.u32 $0xF7A, s1;
	s8 =	simm.s32 @!p0 $0x1BF5;
	p2 =	por !p2, p0  }
0x20: {  	[sflag:s8] =	ssyncset.s32 @!p0 $0xFFFFF086;
	s6 =	sadd.s32 @!p0 s3, s7;
	s7 =	simm.s32 @!p0 $0x108  }
0x21: {  	s3 =	sadd.s32 s3, s9;
	s6 =	sadd.s32 @!p0 $0x88, s6;
	s7 =	simm.s32 @p2 $0x1082  }
0x22: {  	[simem:s7], [sflag:s8] =	dma.local @!p0 [hbm:s6], $0xF7A  }
0x23: {  	s9 =	sor.u32 $0xD0000000, s2;
	s6 =	simm.s32 $0x108;
	_ =	swait.ge @!p0 [sflag:s8], $0x0  }
0x24: {  	s3 =	sadd.s32 $0x88, s3;
	s6 =	simm.s32 @!p1 $0x1082;
	[sflag:s4] =	ssyncset.s32 $0xFFFFF086  }
0x25: {  	[simem:s6], [sflag:s4] =	dma.local [hbm:s3], $0xF7A  }
0x26: {  	[smem:$0x3F9B] =	sst s1;
	(tag) =	ssettag s2;
	_ =	strace s9  }
0x27: {  	s1 =	sld [smem:$0x3FAB]  }
0x28: {  	s2 =	sld [smem:$0x3FAC]  }
0x29: {  	s4 =	sld [smem:$0x3FAE]  }
0x2a: {  	p0 =	seq.s32 s5, $0x0;
	s5 =	sld [smem:$0x3FAF]  }
0x2b: {  	s6 =	sld [smem:$0x3FB0]  }
0x2c: {  	s7 =	sld [smem:$0x3FB1]  }
0x2d: {  	s3 =	simm.s32 $0x108;
	s8 =	sld [smem:$0x3FB2]  }
0x2e: {  	s3 =	simm.s32 @!p0 $0x1082;
	s9 =	sld [smem:$0x3FB3]  }
0x2f: {  	lr =	sadd.s32 s0, s3;
	s0 =	sld [smem:$0x3FAA]  }
0x30: {  	s3 =	sld [smem:$0x3FAD]  }
0x31: {  	[smem:$0x3FB6] =	sst s10  }
0x32: {  	s10 =	sld [smem:$0x3FB4];
	_ =	sdelay $0x3  }
0x33: {  	p0 =	seq.s32 s10, $0x1;
	s10 =	sld [smem:$0x3FB6];
	_ =	sdelay $0x3  }
0x34: {  	[smem:$0x3FB6] =	sst s10  }
0x35: {  	s10 =	sld [smem:$0x3FB5];
	_ =	sdelay $0x3  }
0x36: {  	p1 =	seq.s32 s10, $0x1;
	s10 =	sld [smem:$0x3FB6];
	_ =	sdelay $0x3  }
0x37: {  	[smem:$0x3FB6] =	sst s10  }
0x38: {  	s10 =	sld [smem:$0x3FB7]  }
0x39: {  	_ = 	snop;
	(pc) =	sbr.ind lr, $3  }
0x3a: {  	_ = 	snop  }
0x3b: {  	_ = 	snop  }
0x3c: {  	p2 =	seq.s32 s10, $0x1;
	s10 =	sld [smem:$0x3FB6]  }
0x3d: {  	_ =	shalt  }
0x3e: {  	_ =	shalt  }
0x3f: {  	_ =	shalt  }
0x40: {  	_ =	shalt  }
0x41: {  	_ =	shalt  }
0x42: {  	_ =	shalt  }
0x43: {  	_ =	shalt  }
0x44: {  	_ =	shalt  }
0x45: {  	_ =	shalt  }
0x46: {  	_ =	shalt  }
0x47: {  	_ =	shalt  }
0x48: {  	_ =	shalt  }
0x49: {  	_ =	shalt  }
0x4a: {  	_ =	shalt  }
0x4b: {  	_ =	shalt  }
0x4c: {  	_ =	shalt  }
0x4d: {  	_ =	shalt  }
0x4e: {  	_ =	shalt  }
0x4f: {  	_ =	shalt  }
0x50: {  	_ =	shalt  }
0x51: {  	_ =	shalt  }
0x52: {  	_ =	shalt  }
0x53: {  	_ =	shalt  }
0x54: {  	_ =	shalt  }
0x55: {  	_ =	shalt  }
0x56: {  	_ =	shalt  }
0x57: {  	_ =	shalt  }
0x58: {  	_ =	shalt  }
0x59: {  	_ =	shalt  }
0x5a: {  	_ =	shalt  }
0x5b: {  	_ =	shalt  }
0x5c: {  	_ =	shalt  }
0x5d: {  	_ =	shalt  }
0x5e: {  	_ =	shalt  }
0x5f: {  	_ =	shalt  }
0x60: {  	_ =	shalt  }
0x61: {  	_ =	shalt  }
0x62: {  	_ =	shalt  }
0x63: {  	_ =	shalt  }
0x64: {  	_ =	shalt  }
0x65: {  	_ =	shalt  }
0x66: {  	_ =	shalt  }
0x67: {  	_ =	shalt  }
0x68: {  	_ =	shalt  }
0x69: {  	_ =	shalt  }
0x6a: {  	_ =	shalt  }
0x6b: {  	_ =	shalt  }
0x6c: {  	_ =	shalt  }
0x6d: {  	_ =	shalt  }
0x6e: {  	_ =	shalt  }
0x6f: {  	_ =	shalt  }
0x70: {  	_ =	shalt  }
0x71: {  	_ =	shalt  }
0x72: {  	_ =	shalt  }
0x73: {  	_ =	shalt  }
0x74: {  	_ =	shalt  }
0x75: {  	_ =	shalt  }
0x76: {  	_ =	shalt  }
0x77: {  	_ =	shalt  }
0x78: {  	_ =	shalt  }
0x79: {  	_ =	shalt  }
0x7a: {  	_ =	shalt  }
0x7b: {  	_ =	shalt  }
0x7c: {  	_ =	shalt  }
0x7d: {  	_ =	shalt  }
0x7e: {  	_ =	shalt  }
0x7f: {  	_ =	shalt  }
0x80: {  	_ =	shalt  }
0x81: {  	_ =	shalt  }
0x82: {  	_ =	shalt  }
0x83: {  	_ =	shalt  }
0x84: {  	_ =	shalt  }
0x85: {  	_ =	shalt  }
0x86: {  	_ =	shalt  }
0x87: {  	_ =	shalt  }
.Lfunc_end0:
.L_simem_size_0:
called_computation.1_lowered:
.L_overlay_start_0:
0x88: {  	s2 =	sld [smem:$0x3FD9]  }
0x89: {  	s3 =	sld [smem:$0x3FFE];
	_ =	sdelay $0x1  }
0x8a: {  	s1 =	srdreg.scid  }
0x8b: {  	s0 =	sand.u32 $0x1, s1  }
0x8c: {  	s17 =	sshll.u32 s0, $0xA;
	s2 =	sadd.s32 s3, s2  }
0x8d: {  	s2 =	sadd.s32 s2, s17  }
0x8e: {  	[smem:$0x3FC2] =	sst s2  }
0x8f: {  	_ = 	snop  }
0x90: {  	s2 =	sld [smem:$0x3FD0];
	(tm) =	ssettm $0x1  }
0x91: {  	s18 =	sld [smem:$0x3FFB];
	_ =	sdelay $0x3  }
0x92: {  	_ =	strace s18  }
0x93: {  	s3 =	sld [smem:$0x3FFC];
	_ =	sdelay $0x3  }
0x94: {  	_ =	strace s3  }
0x95: {  	s3 =	sld [smem:$0x3FFD];
	_ =	sdelay $0x3  }
0x96: {  	_ =	strace s3  }
0x97: {  	_ =	strace $0x8FFFFFFF  }
0x98: {  	s19 =	sld [smem:$0x3FDB];
	_ =	sdelay $0x1  }
0x99: {  	s4 =	simm.s32 $_scs_section_size  }
0x9a: {  	s5 =	simm.s32 $_size__tile_overlayer_lowered;
	s6 =	simm.s32 $_tile_overlayer_lowered  }
0x9b: {  	s22 =	simm.s32 $0x1BFF;
	s21 =	sshll.u32 s6, $0x1;
	s3 =	sadd.s32 s4, s19  }
0x9c: {  	s7 =	simm.s32 $0x0;
	s20 =	sshll.u32 s5, $0x1;
	s5 =	sadd.s32 s21, s3  }
0x9d: {  	[timem:s7], [sflag:s22] =	dma.local [hbm:s5], s20  }
0x9e: {  	_ =	swait.ge [sflag:s22], s20  }
0x9f: {  	s4 =	ssub.s32 $0x0, s20;
	[sflag:s22] =	ssyncset.done $0x0  }
0xa0: {  	[sflag:s22] =	ssyncadd.s32 s4;
	_ =	sdelay $0x1  }
0xa1: {  	s23 =	simm.s32 $0x1B8B  }
0xa2: {  	_ =	swait.ge [sflag:s23], $0x1  }
0xa3: {  	[sflag:s23] =	ssyncset.done $0x0  }
0xa4: {  	s25 =	simm.s32 $0x1B8E;
	s24 =	sld [smem:$0x3FFE];
	[sflag:s23] =	ssyncadd.s32 $0xFFFFFFFF  }
0xa5: {  	s26 =	simm.s32 $execute0_lowered;
	[smem:$0x3FD2] =	sst s25  }
0xa6: {  	s5 =	sshll.u32 s26, $0x1;
	_ =	strace $0x80000049;
	[dreg:$0x1] =	wrdreg $0xFFFFFFFF  }
0xa7: {  	s28 =	simm.s32 $_size_execute0_lowered;
	s3 =	sadd.s32 s3, s5;
	[dreg:$0x0] =	wrdreg $0x0  }
0xa8: {  	s5 =	sshll.u32 s28, $0x1;
	[dreg:$0x2] =	wrdreg s3  }
0xa9: {  	[dreg:$0x3] =	wrdreg s5  }
0xaa: {  	[dreg:$0x4] =	wrdreg $0xC0  }
0xab: {  	_ =	task [dreg:s7], $0x5FFFF  }
0xac: {  	[dreg:$0x1] =	wrdreg $0xFFFFFFFF  }
0xad: {  	[dreg:$0x0] =	wrdreg $0x60  }
0xae: {  	[dreg:$0x2] =	wrdreg s24  }
0xaf: {  	[dreg:$0x3] =	wrdreg s2  }
0xb0: {  	[dreg:$0x4] =	wrdreg $0xA8000  }
0xb1: {  	[dreg:$0x5] =	wrdreg $0x9  }
0xb2: {  	_ =	task.clear_ibuf [dreg:s7], $0x6FFFF;
	_ =	strace $0x90000049  }
0xb3: {  	s29 =	simm.s32 $0x9;
	_ =	strace $0x8000004B  }
0xb4: {  	_ =	swait.ge [sflag:s29], $0x1  }
0xb5: {  	[sflag:s29] =	ssyncadd.s32 $0xFFFFFFFF  }
0xb6: {  	_ =	strace $0x9000004B  }
0xb7: {  	_ =	sfence  }
0xb8: {  	s30 =	sld [smem:$0x0];
	_ =	sdelay $0x2  }
0xb9: {  	s31 =	sshll.u32 s1, $0xD;
	s1 =	sshrl.u32 s1, $0x2  }
0xba: {  	s3 =	sand.u32 $0x4000, s31;
	s1 =	sadd.s32 s1, s30  }
0xbb: {  	s0 =	sor.u32 s3, s0;
	s1 =	sshll.u32 s1, $0x11  }
0xbc: {  	s0 =	sor.u32 s1, s0  }
0xbd: {  	s0 =	sadd.s32 $0x8F2B, s0  }
0xbe: {  	[sflag:s0] =	ssyncadd.remote.s32 $0x1  }
0xbf: {  	_ =	sfence.sel $0xFFFF  }
0xc0: {  	[dreg:$0x0] =	wrdreg $0xFFFFFFFF;
	(pc) =	sbr.abs _section_cstart, $3  }
0xc1: {  	[dreg:$0x1] =	wrdreg $0xFFFFFFFF  }
0xc2: {  	_ =	task.clear_ibuf [dreg:s7], $0x2FFFF;
	_ =	strace $0x9FFFFFFF  }
0xc3: {  	(tm) =	ssettm $0x7FFFFFFF  }
tec
execute0_lowered:
.L_overlay_start_1:
0x0: {  	(tag) =	ssettag $0x1  }
0x1: {  	s5 =	rddreg [dreg:$0x0]  }
0x2: {  	s2 =	rddreg [dreg:$0x1]  }
0x3: {  	s0 =	srdreg.scid;
	s3 =	rddreg [dreg:$0x2]  }
0x4: {  	s1 =	stileid.u32;
	s4 =	simm.s32 $0x0;
	s17 =	simm.s32 $0x1400  }
0x5: {  	s18 =	simm.s32 $0x80;
	s19 =	simm.s32 $0x6800;
	s20 =	simm.s32 $0x2800  }
0x6: {  	s21 =	simm.s32 $0x2;
	s22 =	simm.s32 $0x1;
	s23 =	simm.s32 $0x1380  }
0x7: {  	s24 =	simm.s32 $0x2700;
	s25 =	simm.s32 $0x2780;
	s26 =	simm.s32 $0x0  }
0x8: {  	s6 =	sand.u32 $0x1, s0;
	s8 =	smul.u32 $0x14000, s1;
	[smem:$0x7FF] =	sst s4  }
0x9: {  	s12 =	sadd.s32 $0xBE00, s5;
	s13 =	sadd.s32 $0x1E00, s5;
	s7 =	smul.u32 $0x140000, s6  }
0xa: {  	s9 =	smul.u32 $0x50000, s1;
	_ =	strace $0x8000004A;
	s29 =	sshll.u32 s6, $0x4  }
0xb: {  	s6 =	ssub.s32 $0x2, s6;
	s7 =	sadd.s32 s8, s7;
	s8 =	sor.u32 s1, s29  }
0xc: {  	s30 =	sshrl.u32 s6, $0x1;
	s9 =	sshrl.u32 s9, $0x2;
	s31 =	smul.u32 $0x500, s8  }
0xd: {  	s15 =	ssub.s32 s6, s30;
	s7 =	sshrl.u32 s7, $0x3;
	s10 =	smul.u32 $0x2800, s8  }
0xe: {  	s15 =	smax.u32 s15, $0x1;
	s14 =	sadd.s32 s7, s5;
	s7 =	sadd.s32 s9, s3  }
0xf: {  	s5 =	sadd.s32 s12, s31;
	s6 =	sadd.s32 s13, s31;
	s8 =	sadd.s32 $0x4000, s7  }
0x10: {  	s9 =	sadd.s32 $0x8000, s7;
	s16 =	sshrl.u32 s10, $0x3;
	s10 =	sadd.s32 $0xC000, s7  }
0x11: {  	s11 =	sadd.s32 $0x10000, s7;
	s14 =	sadd.s32 $0x15E00, s14;
	s16 =	sadd.s32 $0x280, s16  }
0x12: {  	v0 =	vimm.f32 $0.0e+00;
	s12 =	sadd.s32 s12, s16;
	s13 =	sadd.s32 s13, s16;
	s16 =	simm.s32 $0x3  }
.LBB2_1:
0x13: {  	[tilespmem:s4], [sflag:$0x3] =	stream.linear.gather [hbm4b:s5+s4], $0x1400, $0x38;
	[tilespmem:$0x1E800] =	vst v63  }
0x14: {  	_ =	swait.ge [sflag:s16], $0x1400  }
0x15: {  	[sflag:s16] =	ssyncset.done $0x0  }
0x16: {  	[sflag:s16] =	ssyncadd.s32 $0xFFFFEC00  }
0x17: {  	[tilespmem:s17], [sflag:$0x3] =	stream.linear.gather [hbm4b:s6+s4], $0x1400, $0x38;
	[tilespmem:$0x1E800] =	vst v63  }
0x18: {  	_ =	swait.ge [sflag:s16], $0x1400  }
0x19: {  	[sflag:s16] =	ssyncset.done $0x0  }
0x1a: {  	s28 =	simm.s32 $0x0;
	s29 =	simm.s32 $0x200;
	[sflag:s16] =	ssyncadd.s32 $0xFFFFEC00  }
0x1b: {  	[tilespmem:s19], [sflag:$0x2] =	stream.indirect.gather [hbm4b:s2+s18], $0x80, s4, s18, $0xb8;
	[tilespmem:$0x1E800] =	vst v63  }
.LBB2_2:
0x1c: {  	p0 =	sne.s32 s29, $0xFE00;
	[tilespmem:s28+$0x2870] =	vst v0  }
0x1d: {  	[tilespmem:s28+$0x2800] =	vst v0  }
0x1e: {  	[tilespmem:s28+$0x2810] =	vst v0  }
.Ltmp0:
0x1f: {  	[tilespmem:s28+$0x2820] =	vst v0;
	(pc) =	sbr.rel @p0 .LBB2_2-.Ltmp0, $4  }
0x20: {  	[tilespmem:s28+$0x2830] =	vst v0  }
0x21: {  	[tilespmem:s28+$0x2840] =	vst v0  }
0x22: {  	[tilespmem:s28+$0x2850] =	vst v0  }
0x23: {  	[tilespmem:s28+$0x2860] =	vst v0;
	s28 =	sshra.s32 s29, $0x2;
	s29 =	sadd.s32 $0x200, s29  }
0x24: {  	[tilespmem:s28+$0x2870] =	vst v0  }
0x25: {  	[tilespmem:s28+$0x2800] =	vst v0  }
0x26: {  	[tilespmem:s28+$0x2810] =	vst v0  }
0x27: {  	[tilespmem:s28+$0x2820] =	vst v0  }
0x28: {  	[tilespmem:s28+$0x2830] =	vst v0  }
0x29: {  	[tilespmem:s28+$0x2840] =	vst v0  }
0x2a: {  	[tilespmem:s28+$0x2850] =	vst v0  }
0x2b: {  	[tilespmem:s28+$0x2860] =	vst v0  }
0x2c: {  	[spmem:s7] =	stream.linear.scatter [tilespmem:s20], [sflag:$0x3], $0x4000, $0x38;
	[tilespmem:$0x1E800] =	vst v63  }
0x2d: {  	_ =	swait.ge [sflag:s16], $0x4000  }
0x2e: {  	[sflag:s16] =	ssyncset.done $0x0  }
0x2f: {  	[sflag:s16] =	ssyncadd.s32 $0xFFFFC000  }
0x30: {  	[spmem:s8] =	stream.linear.scatter [tilespmem:s20], [sflag:$0x3], $0x4000, $0x38;
	[tilespmem:$0x1E800] =	vst v63  }
0x31: {  	_ =	swait.ge [sflag:s16], $0x4000  }
0x32: {  	[sflag:s16] =	ssyncset.done $0x0  }
0x33: {  	[sflag:s16] =	ssyncadd.s32 $0xFFFFC000  }
0x34: {  	[spmem:s9] =	stream.linear.scatter [tilespmem:s20], [sflag:$0x3], $0x4000, $0x38;
	[tilespmem:$0x1E800] =	vst v63  }
0x35: {  	_ =	swait.ge [sflag:s16], $0x4000  }
0x36: {  	[sflag:s16] =	ssyncset.done $0x0  }
0x37: {  	[sflag:s16] =	ssyncadd.s32 $0xFFFFC000  }
0x38: {  	[spmem:s10] =	stream.linear.scatter [tilespmem:s20], [sflag:$0x3], $0x4000, $0x38;
	[tilespmem:$0x1E800] =	vst v63  }
0x39: {  	_ =	swait.ge [sflag:s16], $0x4000  }
0x3a: {  	[sflag:s16] =	ssyncset.done $0x0  }
0x3b: {  	[sflag:s16] =	ssyncadd.s32 $0xFFFFC000  }
0x3c: {  	[spmem:s11] =	stream.linear.scatter [tilespmem:s20], [sflag:$0x3], $0x4000, $0x38;
	[tilespmem:$0x1E800] =	vst v63  }
0x3d: {  	_ =	swait.ge [sflag:s16], $0x4000  }
0x3e: {  	[sflag:s16] =	ssyncset.done $0x0  }
0x3f: {  	[sflag:s16] =	ssyncadd.s32 $0xFFFFC000  }
0x40: {  	s28 =	simm.s32 $0x80;
	[bflag:$0x0] =	sbarrier.arrive $0xFFFF  }
0x41: {  	[tilespmem:s20], [sflag:$0x1] =	stream.indirect.gather [hbm4b:s2+s18], $0x80, s28, s18, $0xb8;
	[tilespmem:$0x1E800] =	vst v63  }
0x42: {  	_ =	swait.ge [sflag:s21], $0x4000  }
0x43: {  	[sflag:s21] =	ssyncset.done $0x0  }
0x44: {  	s28 =	simm.s32 $0x1400;
	[sflag:s21] =	ssyncadd.s32 $0xFFFFC000  }
0x45: {  	[spmem:s3] =	stream.indirect.scatter.add.f32 [tilespmem:s19], [sflag:$0x3], $0x80, s28, s18, $0xb8;
	[tilespmem:$0x1E800] =	vst v63  }
0x46: {  	_ =	swait.ge [sflag:s16], $0x4000  }
0x47: {  	[sflag:s16] =	ssyncset.done $0x0  }
0x48: {  	s28 =	simm.s32 $0x100;
	[sflag:s16] =	ssyncadd.s32 $0xFFFFC000  }
0x49: {  	[tilespmem:s19], [sflag:$0x2] =	stream.indirect.gather [hbm4b:s2+s18], $0x80, s28, s18, $0xb8;
	[tilespmem:$0x1E800] =	vst v63  }
0x4a: {  	_ =	swait.ge [sflag:s22], $0x4000  }
0x4b: {  	[sflag:s22] =	ssyncset.done $0x0  }
0x4c: {  	s28 =	simm.s32 $0x1480;
	[sflag:s22] =	ssyncadd.s32 $0xFFFFC000  }
0x4d: {  	[spmem:s3] =	stream.indirect.scatter.add.f32 [tilespmem:s20], [sflag:$0x3], $0x80, s28, s18, $0xb8;
	[tilespmem:$0x1E800] =	vst v63  }
0x4e: {  	_ =	swait.ge [sflag:s16], $0x4000  }
0x4f: {  	s29 =	simm.s32 $0x800;
	s28 =	simm.s32 $0x100;
	[sflag:s16] =	ssyncset.done $0x0  }
.LBB2_4:
0x50: {  	s30 =	sadd.s32 $0x80, s28  }
0x51: {  	[sflag:s16] =	ssyncadd.s32 $0xFFFFC000;
	s31 =	smov.u32 s29;
	s0 =	sadd.s32 $0x400, s29  }
0x52: {  	[tilespmem:s20], [sflag:$0x1] =	stream.indirect.gather [hbm4b:s2+s18], $0x80, s30, s18, $0xb8;
	[tilespmem:$0x1E800] =	vst v63  }
0x53: {  	p0 =	sne.s32 s29, $0x4800;
	_ =	swait.ge [sflag:s21], $0x4000  }
0x54: {  	[sflag:s21] =	ssyncset.done $0x0  }
0x55: {  	s29 =	sadd.s32 $0x1400, s28;
	[sflag:s21] =	ssyncadd.s32 $0xFFFFC000  }
0x56: {  	[spmem:s3] =	stream.indirect.scatter.add.f32 [tilespmem:s19], [sflag:$0x3], $0x80, s29, s18, $0xb8;
	[tilespmem:$0x1E800] =	vst v63  }
0x57: {  	_ =	swait.ge [sflag:s16], $0x4000  }
0x58: {  	[sflag:s16] =	ssyncset.done $0x0  }
0x59: {  	s29 =	sadd.s32 $0x100, s28;
	[sflag:s16] =	ssyncadd.s32 $0xFFFFC000  }
0x5a: {  	[tilespmem:s19], [sflag:$0x2] =	stream.indirect.gather [hbm4b:s2+s18], $0x80, s29, s18, $0xb8;
	[tilespmem:$0x1E800] =	vst v63  }
0x5b: {  	_ =	swait.ge [sflag:s22], $0x4000  }
.Ltmp1:
0x5c: {  	[sflag:s22] =	ssyncset.done $0x0;
	(pc) =	sbr.rel @p0 .LBB2_4-.Ltmp1, $4  }
0x5d: {  	s28 =	sadd.s32 $0x1480, s28;
	[sflag:s22] =	ssyncadd.s32 $0xFFFFC000  }
0x5e: {  	[spmem:s3] =	stream.indirect.scatter.add.f32 [tilespmem:s20], [sflag:$0x3], $0x80, s28, s18, $0xb8;
	[tilespmem:$0x1E800] =	vst v63  }
0x5f: {  	_ =	swait.ge [sflag:s16], $0x4000  }
0x60: {  	s29 =	smov.u32 s0;
	s28 =	sshra.s32 s31, $0x2;
	[sflag:s16] =	ssyncset.done $0x0  }
0x61: {  	s0 =	sadd.s32 $0x80, s28;
	[sflag:s16] =	ssyncadd.s32 $0xFFFFC000  }
0x62: {  	[tilespmem:s20], [sflag:$0x1] =	stream.indirect.gather [hbm4b:s2+s18], $0x80, s0, s18, $0xb8;
	[tilespmem:$0x1E800] =	vst v63  }
0x63: {  	_ =	swait.ge [sflag:s21], $0x4000  }
0x64: {  	[sflag:s21] =	ssyncset.done $0x0  }
0x65: {  	s30 =	sadd.s32 $0x1400, s28;
	[sflag:s21] =	ssyncadd.s32 $0xFFFFC000  }
0x66: {  	[spmem:s3] =	stream.indirect.scatter.add.f32 [tilespmem:s19], [sflag:$0x3], $0x80, s30, s18, $0xb8;
	[tilespmem:$0x1E800] =	vst v63  }
0x67: {  	_ =	swait.ge [sflag:s16], $0x4000  }
0x68: {  	[sflag:s16] =	ssyncset.done $0x0  }
0x69: {  	s31 =	sadd.s32 $0x100, s28;
	[sflag:s16] =	ssyncadd.s32 $0xFFFFC000  }
0x6a: {  	[tilespmem:s19], [sflag:$0x2] =	stream.indirect.gather [hbm4b:s2+s18], $0x80, s31, s18, $0xb8;
	[tilespmem:$0x1E800] =	vst v63  }
0x6b: {  	_ =	swait.ge [sflag:s22], $0x4000  }
0x6c: {  	[sflag:s22] =	ssyncset.done $0x0  }
0x6d: {  	s30 =	sadd.s32 $0x1480, s28;
	[sflag:s22] =	ssyncadd.s32 $0xFFFFC000  }
0x6e: {  	[spmem:s3] =	stream.indirect.scatter.add.f32 [tilespmem:s20], [sflag:$0x3], $0x80, s30, s18, $0xb8;
	[tilespmem:$0x1E800] =	vst v63  }
0x6f: {  	_ =	swait.ge [sflag:s16], $0x4000  }
0x70: {  	[sflag:s16] =	ssyncset.done $0x0  }
0x71: {  	[sflag:s16] =	ssyncadd.s32 $0xFFFFC000  }
0x72: {  	[tilespmem:s20], [sflag:$0x1] =	stream.indirect.gather [hbm4b:s2+s18], $0x80, s23, s18, $0xb8;
	[tilespmem:$0x1E800] =	vst v63  }
0x73: {  	_ =	swait.ge [sflag:s21], $0x4000  }
0x74: {  	[sflag:s21] =	ssyncset.done $0x0  }
0x75: {  	[sflag:s21] =	ssyncadd.s32 $0xFFFFC000  }
0x76: {  	[spmem:s3] =	stream.indirect.scatter.add.f32 [tilespmem:s19], [sflag:$0x3], $0x80, s24, s18, $0xb8;
	[tilespmem:$0x1E800] =	vst v63  }
0x77: {  	_ =	swait.ge [sflag:s16], $0x4000  }
0x78: {  	[sflag:s16] =	ssyncset.done $0x0  }
0x79: {  	[sflag:s16] =	ssyncadd.s32 $0xFFFFC000  }
0x7a: {  	_ =	swait.ge [sflag:s22], $0x4000  }
0x7b: {  	[sflag:s22] =	ssyncset.done $0x0  }
0x7c: {  	[sflag:s22] =	ssyncadd.s32 $0xFFFFC000  }
0x7d: {  	[spmem:s3] =	stream.indirect.scatter.add.f32 [tilespmem:s20], [sflag:$0x3], $0x80, s25, s18, $0xb8;
	[tilespmem:$0x1E800] =	vst v63  }
0x7e: {  	_ =	swait.ge [sflag:s16], $0x4000  }
0x7f: {  	[sflag:s16] =	ssyncset.done $0x0  }
0x80: {  	s31 =	simm.s32 $0x0;
	[sflag:s16] =	ssyncadd.s32 $0xFFFFC000  }
0x81: {  	[tilespmem:s31], [sflag:$0x3] =	stream.linear.gather [hbm4b:s12+s31], $0x1400, $0x38;
	[tilespmem:$0x1E800] =	vst v63  }
0x82: {  	_ =	swait.ge [sflag:s16], $0x1400  }
0x83: {  	[sflag:s16] =	ssyncset.done $0x0  }
0x84: {  	[sflag:s16] =	ssyncadd.s32 $0xFFFFEC00  }
0x85: {  	[tilespmem:s17], [sflag:$0x3] =	stream.linear.gather [hbm4b:s13+s31], $0x1400, $0x38;
	[tilespmem:$0x1E800] =	vst v63  }
0x86: {  	_ =	swait.ge [sflag:s16], $0x1400  }
0x87: {  	[sflag:s16] =	ssyncset.done $0x0  }
0x88: {  	[sflag:s16] =	ssyncadd.s32 $0xFFFFEC00  }
0x89: {  	[tilespmem:s19], [sflag:$0x2] =	stream.indirect.gather [hbm4b:s2+s18], $0x80, s31, s18, $0xb8;
	[tilespmem:$0x1E800] =	vst v63  }
0x8a: {  	s30 =	simm.s32 $0x80  }
0x8b: {  	[tilespmem:s20], [sflag:$0x1] =	stream.indirect.gather [hbm4b:s2+s18], $0x80, s30, s18, $0xb8;
	[tilespmem:$0x1E800] =	vst v63  }
0x8c: {  	_ =	swait.ge [sflag:s21], $0x4000  }
0x8d: {  	[sflag:s21] =	ssyncset.done $0x0  }
0x8e: {  	s31 =	simm.s32 $0x1400;
	[sflag:s21] =	ssyncadd.s32 $0xFFFFC000  }
0x8f: {  	[spmem:s3] =	stream.indirect.scatter.add.f32 [tilespmem:s19], [sflag:$0x3], $0x80, s31, s18, $0xb8;
	[tilespmem:$0x1E800] =	vst v63  }
0x90: {  	_ =	swait.ge [sflag:s16], $0x4000  }
0x91: {  	[sflag:s16] =	ssyncset.done $0x0  }
0x92: {  	s30 =	simm.s32 $0x100;
	[sflag:s16] =	ssyncadd.s32 $0xFFFFC000  }
0x93: {  	[tilespmem:s19], [sflag:$0x2] =	stream.indirect.gather [hbm4b:s2+s18], $0x80, s30, s18, $0xb8;
	[tilespmem:$0x1E800] =	vst v63  }
0x94: {  	_ =	swait.ge [sflag:s22], $0x4000  }
0x95: {  	[sflag:s22] =	ssyncset.done $0x0  }
0x96: {  	s31 =	simm.s32 $0x1480;
	[sflag:s22] =	ssyncadd.s32 $0xFFFFC000  }
0x97: {  	[spmem:s3] =	stream.indirect.scatter.add.f32 [tilespmem:s20], [sflag:$0x3], $0x80, s31, s18, $0xb8;
	[tilespmem:$0x1E800] =	vst v63  }
0x98: {  	_ =	swait.ge [sflag:s16], $0x4000  }
0x99: {  	s29 =	simm.s32 $0x800;
	s28 =	simm.s32 $0x100;
	[sflag:s16] =	ssyncset.done $0x0  }
.LBB2_6:
0x9a: {  	s0 =	sadd.s32 $0x80, s28  }
0x9b: {  	[sflag:s16] =	ssyncadd.s32 $0xFFFFC000;
	s30 =	smov.u32 s29;
	s31 =	sadd.s32 $0x400, s29  }
0x9c: {  	[tilespmem:s20], [sflag:$0x1] =	stream.indirect.gather [hbm4b:s2+s18], $0x80, s0, s18, $0xb8;
	[tilespmem:$0x1E800] =	vst v63  }
0x9d: {  	p0 =	sne.s32 s29, $0x4800;
	_ =	swait.ge [sflag:s21], $0x4000  }
0x9e: {  	[sflag:s21] =	ssyncset.done $0x0  }
0x9f: {  	s0 =	sadd.s32 $0x1400, s28;
	[sflag:s21] =	ssyncadd.s32 $0xFFFFC000  }
0xa0: {  	[spmem:s3] =	stream.indirect.scatter.add.f32 [tilespmem:s19], [sflag:$0x3], $0x80, s0, s18, $0xb8;
	[tilespmem:$0x1E800] =	vst v63  }
0xa1: {  	_ =	swait.ge [sflag:s16], $0x4000  }
0xa2: {  	[sflag:s16] =	ssyncset.done $0x0  }
0xa3: {  	s0 =	sadd.s32 $0x100, s28;
	[sflag:s16] =	ssyncadd.s32 $0xFFFFC000  }
0xa4: {  	[tilespmem:s19], [sflag:$0x2] =	stream.indirect.gather [hbm4b:s2+s18], $0x80, s0, s18, $0xb8;
	[tilespmem:$0x1E800] =	vst v63  }
0xa5: {  	_ =	swait.ge [sflag:s22], $0x4000  }
.Ltmp2:
0xa6: {  	[sflag:s22] =	ssyncset.done $0x0;
	(pc) =	sbr.rel @p0 .LBB2_6-.Ltmp2, $4  }
0xa7: {  	s0 =	sadd.s32 $0x1480, s28;
	[sflag:s22] =	ssyncadd.s32 $0xFFFFC000  }
0xa8: {  	[spmem:s3] =	stream.indirect.scatter.add.f32 [tilespmem:s20], [sflag:$0x3], $0x80, s0, s18, $0xb8;
	[tilespmem:$0x1E800] =	vst v63  }
0xa9: {  	_ =	swait.ge [sflag:s16], $0x4000  }
0xaa: {  	s29 =	smov.u32 s31;
	s28 =	sshra.s32 s30, $0x2;
	[sflag:s16] =	ssyncset.done $0x0  }
0xab: {  	s0 =	sadd.s32 $0x80, s28;
	[sflag:s16] =	ssyncadd.s32 $0xFFFFC000  }
0xac: {  	[tilespmem:s20], [sflag:$0x1] =	stream.indirect.gather [hbm4b:s2+s18], $0x80, s0, s18, $0xb8;
	[tilespmem:$0x1E800] =	vst v63  }
0xad: {  	_ =	swait.ge [sflag:s21], $0x4000  }
0xae: {  	[sflag:s21] =	ssyncset.done $0x0  }
0xaf: {  	s30 =	sadd.s32 $0x1400, s28;
	[sflag:s21] =	ssyncadd.s32 $0xFFFFC000  }
0xb0: {  	[spmem:s3] =	stream.indirect.scatter.add.f32 [tilespmem:s19], [sflag:$0x3], $0x80, s30, s18, $0xb8;
	[tilespmem:$0x1E800] =	vst v63  }
0xb1: {  	_ =	swait.ge [sflag:s16], $0x4000  }
0xb2: {  	[sflag:s16] =	ssyncset.done $0x0  }
0xb3: {  	s31 =	sadd.s32 $0x100, s28;
	[sflag:s16] =	ssyncadd.s32 $0xFFFFC000  }
0xb4: {  	[tilespmem:s19], [sflag:$0x2] =	stream.indirect.gather [hbm4b:s2+s18], $0x80, s31, s18, $0xb8;
	[tilespmem:$0x1E800] =	vst v63  }
0xb5: {  	_ =	swait.ge [sflag:s22], $0x4000  }
0xb6: {  	[sflag:s22] =	ssyncset.done $0x0  }
0xb7: {  	s29 =	sadd.s32 $0x1480, s28;
	[sflag:s22] =	ssyncadd.s32 $0xFFFFC000  }
0xb8: {  	[spmem:s3] =	stream.indirect.scatter.add.f32 [tilespmem:s20], [sflag:$0x3], $0x80, s29, s18, $0xb8;
	[tilespmem:$0x1E800] =	vst v63  }
0xb9: {  	_ =	swait.ge [sflag:s16], $0x4000  }
0xba: {  	[sflag:s16] =	ssyncset.done $0x0  }
0xbb: {  	[sflag:s16] =	ssyncadd.s32 $0xFFFFC000  }
0xbc: {  	[tilespmem:s20], [sflag:$0x1] =	stream.indirect.gather [hbm4b:s2+s18], $0x80, s23, s18, $0xb8;
	[tilespmem:$0x1E800] =	vst v63  }
0xbd: {  	_ =	swait.ge [sflag:s21], $0x4000  }
0xbe: {  	[sflag:s21] =	ssyncset.done $0x0  }
0xbf: {  	[sflag:s21] =	ssyncadd.s32 $0xFFFFC000  }
0xc0: {  	[spmem:s3] =	stream.indirect.scatter.add.f32 [tilespmem:s19], [sflag:$0x3], $0x80, s24, s18, $0xb8;
	[tilespmem:$0x1E800] =	vst v63  }
0xc1: {  	_ =	swait.ge [sflag:s16], $0x4000  }
0xc2: {  	[sflag:s16] =	ssyncset.done $0x0  }
0xc3: {  	[sflag:s16] =	ssyncadd.s32 $0xFFFFC000  }
0xc4: {  	_ =	swait.ge [sflag:s22], $0x4000  }
0xc5: {  	[sflag:s22] =	ssyncset.done $0x0  }
0xc6: {  	[sflag:s22] =	ssyncadd.s32 $0xFFFFC000  }
0xc7: {  	[spmem:s3] =	stream.indirect.scatter.add.f32 [tilespmem:s20], [sflag:$0x3], $0x80, s25, s18, $0xb8;
	[tilespmem:$0x1E800] =	vst v63  }
0xc8: {  	_ =	swait.ge [sflag:s16], $0x4000  }
0xc9: {  	s26 =	sadd.s32 $0x1, s26;
	s30 =	sshll.u32 s1, $0x6;
	[sflag:s16] =	ssyncset.done $0x0  }
0xca: {  	p0 =	sne.s32 s26, s15;
	s0 =	sor.u32 $0x1C03, s30;
	[sflag:s16] =	ssyncadd.s32 $0xFFFFC000  }
.Ltmp3:
0xcb: {  	s31 =	sshrl.u32 s7, $0x3;
	[bflag:$0x0] =	sbarrier.arrive $0xFFFF;
	(pc) =	sbr.rel @p0 .LBB2_1-.Ltmp3, $4  }
0xcc: {  	[hbm:s14], [sflag:s0] =	dma.local [spmem:s31], $0x2800  }
0xcd: {  	_ =	swait.ge [sflag:s16], $0x2800  }
0xce: {  	[sflag:s16] =	ssyncset.done $0x0  }
0xcf: {  	[sflag:s16] =	ssyncadd.s32 $0xFFFFD800  }
0xd0: {  	_ =	sfence.sel $0x180000  }
0xd1: {  	[bflag:$0x0] =	sbarrier.arrive $0xFFFF  }
0xd2: {  	_ =	strace $0x9000004A  }
0xd3: {  	[bflag:$0x2] =	sbarrier.arrive $0xFFFF  }
0xd4: {  	p0 =	sne.s32 s1, $0x0;
	s0 =	rddreg [dreg:$0x3]  }
0xd5: {  	s0 =	sadd.s32 @!p0 $0x100000, s0  }
0xd6: {  	[sflag:s0] =	ssyncadd.tile.s32 @!p0 $0x1;
	_ =	shalt  }
.Lfunc_end2:
_tile_overlayer_lowered:
.L_overlay_start_2:
0xd7: {  	(tag) =	ssettag $0x2  }
0xd8: {  	s0 =	rddreg [dreg:$0x0];
	s2 =	stileid.u32  }
0xd9: {  	s1 =	rddreg [dreg:$0x1];
	p0 =	sne.s32 s2, $0x0  }
0xda: {  	s3 =	rddreg [dreg:$0x2];
	[bflag:$0x3] =	sbarrier.arrive $0xFFFF;
	s2 =	simm.s32 @!p0 $0x1C03  }
0xdb: {  	[timem:s3], [sflag:s2] =	dma.local @!p0 [hbm:s0], s1  }
0xdc: {  	s0 =	simm.s32 @!p0 $0x3  }
0xdd: {  	_ =	swait.ge @!p0 [sflag:s0], s1  }
0xde: {  	s1 =	ssub.s32 @!p0 $0x0, s1;
	[sflag:s0] =	ssyncset.done @!p0 $0x0  }
0xdf: {  	[sflag:s0] =	ssyncadd.s32 @!p0 s1  }
0xe0: {  	[bflag:$0x3] =	sbarrier.arrive $0xFFFF  }
0xe1: {  	_ =	shalt  }

// kernel: kernel.7.cloned.1.call-start
scs
__scs_entry_jumppad:
0x0: {  	(pc) =	sbr.rel $0x88, $3  }
0x1: {  	(tag) =	ssettag $0x0;
	lr =	simm.s32 $0x1  }
0x2: {  	[smem:$0x3F9B] =	sst lr;
	_ =	strace $0xD0000000  }
0x3: {  	_ = 	snop  }
0x4: {  	_ = 	snop  }
0x5: {  	_ = 	snop  }
0x6: {  	_ = 	snop  }
0x7: {  	_ = 	snop  }
__scs_overlays_trampoline_lowered:
0x8: {  	[smem:$0x3FAA] =	sst s0  }
0x9: {  	[smem:$0x3FAB] =	sst s1  }
0xa: {  	[smem:$0x3FAC] =	sst s2  }
0xb: {  	[smem:$0x3FAD] =	sst s3  }
0xc: {  	[smem:$0x3FAE] =	sst s4  }
0xd: {  	[smem:$0x3FAF] =	sst s5  }
0xe: {  	[smem:$0x3FB0] =	sst s6  }
0xf: {  	[smem:$0x3FB1] =	sst s7  }
0x10: {  	[smem:$0x3FB2] =	sst s8  }
0x11: {  	[smem:$0x3FB3] =	sst s9;
	s0 =	simm.s32 @!p0 $0x0  }
0x12: {  	s1 =	sld [smem:$0x3F99];
	s0 =	simm.s32 @p0 $0x1  }
0x13: {  	[smem:$0x3FB4] =	sst s0;
	s0 =	simm.s32 @!p1 $0x0  }
0x14: {  	s2 =	sld [smem:$0x3F98];
	s0 =	simm.s32 @p1 $0x1  }
0x15: {  	[smem:$0x3FB5] =	sst s0;
	s0 =	simm.s32 @!p2 $0x0  }
0x16: {  	s3 =	sld [smem:$0x3FDB];
	s0 =	simm.s32 @p2 $0x1  }
0x17: {  	s4 =	simm.s32 $0x1BF5;
	[smem:$0x3FB7] =	sst s0  }
0x18: {  	s0 =	sld [smem:$0x3F9A];
	_ =	swait.ge [sflag:s4], $0x0  }
0x19: {  	s7 =	sld [smem:$0x3F9B]  }
0x1a: {  	s8 =	sadd.s32 $0xFFFFE003, lr  }
0x1b: {  	s9 =	sadd.s32 $0xFFFFFEF7, lr;
	s5 =	simm.s32 $0xFFFFFFFF;
	p2 =	slt.u32 s8, $0xFFFFF086  }
0x1c: {  	p1 =	slt.u32 s9, $0xF7A;
	s5 =	simm.s32 @!p2 $0x0  }
0x1d: {  	s5 =	simm.s32 @p1 $0x1;
	p0 =	seq.s32 s7, s2  }
0x1e: {  	s7 =	smul.u32 @!p0 $0xF7A, s2;
	p2 =	seq.s32 @!p0 s5, $0x0  }
0x1f: {  	s9 =	smul.u32 $0xF7A, s1;
	s8 =	simm.s32 @!p0 $0x1BF5;
	p2 =	por !p2, p0  }
0x20: {  	[sflag:s8] =	ssyncset.s32 @!p0 $0xFFFFF086;
	s6 =	sadd.s32 @!p0 s3, s7;
	s7 =	simm.s32 @!p0 $0x108  }
0x21: {  	s3 =	sadd.s32 s3, s9;
	s6 =	sadd.s32 @!p0 $0x88, s6;
	s7 =	simm.s32 @p2 $0x1082  }
0x22: {  	[simem:s7], [sflag:s8] =	dma.local @!p0 [hbm:s6], $0xF7A  }
0x23: {  	s9 =	sor.u32 $0xD0000000, s2;
	s6 =	simm.s32 $0x108;
	_ =	swait.ge @!p0 [sflag:s8], $0x0  }
0x24: {  	s3 =	sadd.s32 $0x88, s3;
	s6 =	simm.s32 @!p1 $0x1082;
	[sflag:s4] =	ssyncset.s32 $0xFFFFF086  }
0x25: {  	[simem:s6], [sflag:s4] =	dma.local [hbm:s3], $0xF7A  }
0x26: {  	[smem:$0x3F9B] =	sst s1;
	(tag) =	ssettag s2;
	_ =	strace s9  }
0x27: {  	s1 =	sld [smem:$0x3FAB]  }
0x28: {  	s2 =	sld [smem:$0x3FAC]  }
0x29: {  	s4 =	sld [smem:$0x3FAE]  }
0x2a: {  	p0 =	seq.s32 s5, $0x0;
	s5 =	sld [smem:$0x3FAF]  }
0x2b: {  	s6 =	sld [smem:$0x3FB0]  }
0x2c: {  	s7 =	sld [smem:$0x3FB1]  }
0x2d: {  	s3 =	simm.s32 $0x108;
	s8 =	sld [smem:$0x3FB2]  }
0x2e: {  	s3 =	simm.s32 @!p0 $0x1082;
	s9 =	sld [smem:$0x3FB3]  }
0x2f: {  	lr =	sadd.s32 s0, s3;
	s0 =	sld [smem:$0x3FAA]  }
0x30: {  	s3 =	sld [smem:$0x3FAD]  }
0x31: {  	[smem:$0x3FB6] =	sst s10  }
0x32: {  	s10 =	sld [smem:$0x3FB4];
	_ =	sdelay $0x3  }
0x33: {  	p0 =	seq.s32 s10, $0x1;
	s10 =	sld [smem:$0x3FB6];
	_ =	sdelay $0x3  }
0x34: {  	[smem:$0x3FB6] =	sst s10  }
0x35: {  	s10 =	sld [smem:$0x3FB5];
	_ =	sdelay $0x3  }
0x36: {  	p1 =	seq.s32 s10, $0x1;
	s10 =	sld [smem:$0x3FB6];
	_ =	sdelay $0x3  }
0x37: {  	[smem:$0x3FB6] =	sst s10  }
0x38: {  	s10 =	sld [smem:$0x3FB7]  }
0x39: {  	_ = 	snop;
	(pc) =	sbr.ind lr, $3  }
0x3a: {  	_ = 	snop  }
0x3b: {  	_ = 	snop  }
0x3c: {  	p2 =	seq.s32 s10, $0x1;
	s10 =	sld [smem:$0x3FB6]  }
0x3d: {  	_ =	shalt  }
0x3e: {  	_ =	shalt  }
0x3f: {  	_ =	shalt  }
0x40: {  	_ =	shalt  }
0x41: {  	_ =	shalt  }
0x42: {  	_ =	shalt  }
0x43: {  	_ =	shalt  }
0x44: {  	_ =	shalt  }
0x45: {  	_ =	shalt  }
0x46: {  	_ =	shalt  }
0x47: {  	_ =	shalt  }
0x48: {  	_ =	shalt  }
0x49: {  	_ =	shalt  }
0x4a: {  	_ =	shalt  }
0x4b: {  	_ =	shalt  }
0x4c: {  	_ =	shalt  }
0x4d: {  	_ =	shalt  }
0x4e: {  	_ =	shalt  }
0x4f: {  	_ =	shalt  }
0x50: {  	_ =	shalt  }
0x51: {  	_ =	shalt  }
0x52: {  	_ =	shalt  }
0x53: {  	_ =	shalt  }
0x54: {  	_ =	shalt  }
0x55: {  	_ =	shalt  }
0x56: {  	_ =	shalt  }
0x57: {  	_ =	shalt  }
0x58: {  	_ =	shalt  }
0x59: {  	_ =	shalt  }
0x5a: {  	_ =	shalt  }
0x5b: {  	_ =	shalt  }
0x5c: {  	_ =	shalt  }
0x5d: {  	_ =	shalt  }
0x5e: {  	_ =	shalt  }
0x5f: {  	_ =	shalt  }
0x60: {  	_ =	shalt  }
0x61: {  	_ =	shalt  }
0x62: {  	_ =	shalt  }
0x63: {  	_ =	shalt  }
0x64: {  	_ =	shalt  }
0x65: {  	_ =	shalt  }
0x66: {  	_ =	shalt  }
0x67: {  	_ =	shalt  }
0x68: {  	_ =	shalt  }
0x69: {  	_ =	shalt  }
0x6a: {  	_ =	shalt  }
0x6b: {  	_ =	shalt  }
0x6c: {  	_ =	shalt  }
0x6d: {  	_ =	shalt  }
0x6e: {  	_ =	shalt  }
0x6f: {  	_ =	shalt  }
0x70: {  	_ =	shalt  }
0x71: {  	_ =	shalt  }
0x72: {  	_ =	shalt  }
0x73: {  	_ =	shalt  }
0x74: {  	_ =	shalt  }
0x75: {  	_ =	shalt  }
0x76: {  	_ =	shalt  }
0x77: {  	_ =	shalt  }
0x78: {  	_ =	shalt  }
0x79: {  	_ =	shalt  }
0x7a: {  	_ =	shalt  }
0x7b: {  	_ =	shalt  }
0x7c: {  	_ =	shalt  }
0x7d: {  	_ =	shalt  }
0x7e: {  	_ =	shalt  }
0x7f: {  	_ =	shalt  }
0x80: {  	_ =	shalt  }
0x81: {  	_ =	shalt  }
0x82: {  	_ =	shalt  }
0x83: {  	_ =	shalt  }
0x84: {  	_ =	shalt  }
0x85: {  	_ =	shalt  }
0x86: {  	_ =	shalt  }
0x87: {  	_ =	shalt  }
.Lfunc_end0:
.L_simem_size_0:
called_computation_lowered:
.L_overlay_start_0:
0x88: {  	s2 =	sld [smem:$0x3FD9]  }
0x89: {  	s3 =	sld [smem:$0x3FFE];
	_ =	sdelay $0x1  }
0x8a: {  	s1 =	srdreg.scid  }
0x8b: {  	s0 =	sand.u32 $0x1, s1  }
0x8c: {  	s17 =	sshll.u32 s0, $0xA;
	s2 =	sadd.s32 s3, s2  }
0x8d: {  	s2 =	sadd.s32 s2, s17  }
0x8e: {  	[smem:$0x3FC2] =	sst s2  }
0x8f: {  	_ = 	snop  }
0x90: {  	s2 =	sld [smem:$0x3FD0];
	(tm) =	ssettm $0x1  }
0x91: {  	s18 =	sld [smem:$0x3FFB];
	_ =	sdelay $0x3  }
0x92: {  	_ =	strace s18  }
0x93: {  	s3 =	sld [smem:$0x3FFC];
	_ =	sdelay $0x3  }
0x94: {  	_ =	strace s3  }
0x95: {  	s3 =	sld [smem:$0x3FFD];
	_ =	sdelay $0x3  }
0x96: {  	_ =	strace s3  }
0x97: {  	_ =	strace $0x8FFFFFFF  }
0x98: {  	s19 =	sld [smem:$0x3FDB];
	_ =	sdelay $0x1  }
0x99: {  	s4 =	simm.s32 $_scs_section_size  }
0x9a: {  	s5 =	simm.s32 $_size__tile_overlayer_lowered;
	s6 =	simm.s32 $_tile_overlayer_lowered  }
0x9b: {  	s22 =	simm.s32 $0x1BFF;
	s21 =	sshll.u32 s6, $0x1;
	s3 =	sadd.s32 s4, s19  }
0x9c: {  	s7 =	simm.s32 $0x0;
	s20 =	sshll.u32 s5, $0x1;
	s5 =	sadd.s32 s21, s3  }
0x9d: {  	[timem:s7], [sflag:s22] =	dma.local [hbm:s5], s20  }
0x9e: {  	_ =	swait.ge [sflag:s22], s20  }
0x9f: {  	s4 =	ssub.s32 $0x0, s20;
	[sflag:s22] =	ssyncset.done $0x0  }
0xa0: {  	[sflag:s22] =	ssyncadd.s32 s4;
	_ =	sdelay $0x1  }
0xa1: {  	s23 =	simm.s32 $0x1B8B  }
0xa2: {  	_ =	swait.ge [sflag:s23], $0x1  }
0xa3: {  	[sflag:s23] =	ssyncset.done $0x0  }
0xa4: {  	s25 =	simm.s32 $0x1B8E;
	s24 =	sld [smem:$0x3FFE];
	[sflag:s23] =	ssyncadd.s32 $0xFFFFFFFF  }
0xa5: {  	s26 =	simm.s32 $execute0_lowered;
	[smem:$0x3FD2] =	sst s25  }
0xa6: {  	s5 =	sshll.u32 s26, $0x1;
	_ =	strace $0x80000046;
	[dreg:$0x1] =	wrdreg $0xFFFFFFFF  }
0xa7: {  	s28 =	simm.s32 $_size_execute0_lowered;
	s3 =	sadd.s32 s3, s5;
	[dreg:$0x0] =	wrdreg $0x0  }
0xa8: {  	s5 =	sshll.u32 s28, $0x1;
	[dreg:$0x2] =	wrdreg s3  }
0xa9: {  	[dreg:$0x3] =	wrdreg s5  }
0xaa: {  	[dreg:$0x4] =	wrdreg $0xC0  }
0xab: {  	_ =	task [dreg:s7], $0x5FFFF  }
0xac: {  	[dreg:$0x1] =	wrdreg $0xFFFFFFFF  }
0xad: {  	[dreg:$0x0] =	wrdreg $0x60  }
0xae: {  	[dreg:$0x2] =	wrdreg s24  }
0xaf: {  	[dreg:$0x3] =	wrdreg s2  }
0xb0: {  	[dreg:$0x4] =	wrdreg $0x9  }
0xb1: {  	_ =	task.clear_ibuf [dreg:s7], $0x5FFFF;
	_ =	strace $0x90000046  }
0xb2: {  	s29 =	simm.s32 $0x9;
	_ =	strace $0x80000048  }
0xb3: {  	_ =	swait.ge [sflag:s29], $0x1  }
0xb4: {  	[sflag:s29] =	ssyncadd.s32 $0xFFFFFFFF  }
0xb5: {  	_ =	strace $0x90000048  }
0xb6: {  	_ =	sfence  }
0xb7: {  	s30 =	sld [smem:$0x0];
	_ =	sdelay $0x2  }
0xb8: {  	s31 =	sshll.u32 s1, $0xD;
	s1 =	sshrl.u32 s1, $0x2  }
0xb9: {  	s3 =	sand.u32 $0x4000, s31;
	s1 =	sadd.s32 s1, s30  }
0xba: {  	s0 =	sor.u32 s3, s0;
	s1 =	sshll.u32 s1, $0x11  }
0xbb: {  	s0 =	sor.u32 s1, s0  }
0xbc: {  	s0 =	sadd.s32 $0x8F2B, s0  }
0xbd: {  	[sflag:s0] =	ssyncadd.remote.s32 $0x1  }
0xbe: {  	_ =	sfence.sel $0xFFFF  }
0xbf: {  	[dreg:$0x0] =	wrdreg $0xFFFFFFFF;
	(pc) =	sbr.abs _section_cstart, $3  }
0xc0: {  	[dreg:$0x1] =	wrdreg $0xFFFFFFFF  }
0xc1: {  	_ =	task.clear_ibuf [dreg:s7], $0x2FFFF;
	_ =	strace $0x9FFFFFFF  }
0xc2: {  	(tm) =	ssettm $0x7FFFFFFF  }
0xc3: {  	_ =	shalt  }
tec
execute0_lowered:
.L_overlay_start_1:
0x0: {  	(tag) =	ssettag $0x1  }
0x1: {  	s0 =	srdreg.scid;
	s3 =	rddreg [dreg:$0x0]  }
0x2: {  	s5 =	rddreg [dreg:$0x1];
	s4 =	sand.u32 $0x1, s0  }
0x3: {  	s1 =	stileid.u32;
	s8 =	simm.s32 $0x0;
	s2 =	sshll.u32 s4, $0x4  }
0x4: {  	s4 =	ssub.s32 $0x2, s4;
	s6 =	sor.u32 s1, s2;
	s2 =	simm.s32 $0x0  }
0x5: {  	s7 =	sshrl.u32 s4, $0x1;
	s6 =	smul.u32 $0x500, s6;
	[smem:$0x7FF] =	sst s2  }
0x6: {  	s0 =	rddreg [dreg:$0x2];
	s7 =	ssub.s32 s4, s7;
	_ =	strace $0x80000047  }
0x7: {  	s3 =	sadd.s32 s6, s3;
	s4 =	sadd.s32 s5, s6;
	s5 =	smax.u32 s7, $0x1  }
0x8: {  	v0 =	vimm.f32 $0.0e+00;
	v1 =	vimm.f32 $1.000000000e+00;
	s6 =	simm.s32 $0x1;
	s7 =	simm.s32 $0x2800;
	s3 =	sadd.s32 $0x1E00, s3  }
.LBB2_1:
0x9: {  	[tilespmem:s2], [sflag:$0x1] =	stream.linear.gather [hbm4b:s3+s2], $0x2800, $0x38;
	[tilespmem:$0x5000] =	vst v63  }
0xa: {  	_ =	swait.ge [sflag:s6], $0x2800  }
0xb: {  	[sflag:s6] =	ssyncset.done $0x0  }
0xc: {  	s9 =	simm.s32 $0x0;
	[sflag:s6] =	ssyncadd.s32 $0xFFFFD800  }
.LBB2_2:
0xd: {  	p0 =	sne.s32 s9, $0x9FC0  }
.Ltmp0:
0xe: {  	_ = 	snop;
	(pc) =	sbr.rel @p0 .LBB2_2-.Ltmp0, $3  }
0xf: {  	_ =	sdelay $0x1  }
0x10: {  	s10 =	sshra.s32 s9, $0x2  }
0x11: {  	s9 =	sadd.s32 $0x40, s9;
	[tilespmem:s10+$0x2800] =	vst v0  }
0x12: {  	s9 =	simm.s32 $0x0  }
0x13: {  	s10 =	sand.u32 $0x3FF0, s9;
	s9 =	simm.s32 $0x10  }
.LBB2_4:
0x14: {  	p0 =	sne.s32 s9, $0x27F0;
	v2 =	vld [tilespmem:s10+$0x0];
	_ =	sdelay $0x3  }
.Ltmp1:
0x15: {  	(pc) =	sbr.rel @p0 .LBB2_4-.Ltmp1, $2  }
0x16: {  	_ =	sdelay $0x2  }
0x17: {  	s10 =	sand.u32 $0x3FF0, s9;
	s9 =	sadd.s32 $0x10, s9;
	[tilespmem:v2+s7+$0x0] =	vst.idx.add.f32.msk $0xffff, v1  }
0x18: {  	v2 =	vld [tilespmem:s10+$0x0];
	_ =	sdelay $0x5  }
0x19: {  	s8 =	sadd.s32 $0x1, s8  }
0x1a: {  	p0 =	sne.s32 s8, s5  }
.Ltmp2:
0x1b: {  	[tilespmem:v2+s7+$0x0] =	vst.idx.add.f32.msk $0xffff, v1;
	(pc) =	sbr.rel @p0 .LBB2_1-.Ltmp2, $4  }
0x1c: {  	[hbm4b:s4+s2] =	stream.linear.scatter [tilespmem:s7], [sflag:$0x1], $0x2800, $0x38;
	[tilespmem:$0x5000] =	vst v63  }
0x1d: {  	_ =	swait.ge [sflag:s6], $0x2800  }
0x1e: {  	[sflag:s6] =	ssyncset.done $0x0  }
0x1f: {  	[sflag:s6] =	ssyncadd.s32 $0xFFFFD800  }
0x20: {  	_ =	sfence.sel $0x180000  }
0x21: {  	[bflag:$0x0] =	sbarrier.arrive $0xFFFF  }
0x22: {  	p0 =	sne.s32 s1, $0x0;
	_ =	strace $0x90000047  }
0x23: {  	s0 =	sadd.s32 @!p0 $0x100000, s0;
	[bflag:$0x2] =	sbarrier.arrive $0xFFFF  }
0x24: {  	[sflag:s0] =	ssyncadd.tile.s32 @!p0 $0x1;
	_ =	shalt  }
.Lfunc_end2:
_tile_overlayer_lowered:
.L_overlay_start_2:
0x25: {  	(tag) =	ssettag $0x2  }
0x26: {  	s0 =	rddreg [dreg:$0x0];
	s2 =	stileid.u32  }
0x27: {  	s1 =	rddreg [dreg:$0x1];
	p0 =	sne.s32 s2, $0x0  }
0x28: {  	s3 =	rddreg [dreg:$0x2];
	[bflag:$0x3] =	sbarrier.arrive $0xFFFF;
	s2 =	simm.s32 @!p0 $0x1C01  }
0x29: {  	[timem:s3], [sflag:s2] =	dma.local @!p0 [hbm:s0], s1  }
0x2a: {  	s0 =	simm.s32 @!p0 $0x1  }
0x2b: {  	_ =	swait.ge @!p0 [sflag:s0], s1  }
0x2c: {  	s1 =	ssub.s32 @!p0 $0x0, s1;
	[sflag:s0] =	ssyncset.done @!p0 $0x0  }
0x2d: {  	[sflag:s0] =	ssyncadd.s32 @!p0 s1  }
0x2e: {  	[bflag:$0x3] =	sbarrier.arrive $0xFFFF  }
0x2f: {  	_ =	shalt  }

</sc_bundles>
